<compile_context>
chip_gen: v7x
topology: tpu7x:2x2x1
jax: 0.10.2.dev20260603
libtpu: 0.0.44.dev20260713+nightly
codegen_flags: <defaults>
</compile_context>

<pallas_src>
import jax
import jax.numpy as jnp
from jax import lax
from jax.experimental import pallas as pl
from jax.experimental.pallas import tpu as pltpu
from jax.experimental.pallas import tpu_sc as plsc

_VOCAB = 100000
_D = 64
_B = 4096
_C = 20
_L = 16

_NC = 2
_NS = 16
_NW = _NC * _NS
_ROUNDS = _D // _NW
_BCHUNK = 512
_NBCHUNK = _B // _BCHUNK
_CHUNKW = _C * _BCHUNK


def _cbow_body(idx_hbm, table_hbm, out_hbm, row_v, idxbufs, outr_v,
               idx_shared, row_sem, idx_sems):
    wid = lax.axis_index("s") * _NC + lax.axis_index("c")
    sid = lax.axis_index("s")
    inv_c = jnp.float32(1.0 / _C)

    @pl.when(sid == 0)
    def _():
        pltpu.sync_copy(idx_hbm, idx_shared)

    plsc.subcore_barrier()

    def _idx_copy(chunk, b):
        return pltpu.make_async_copy(
            idx_shared.at[pl.ds(chunk * _CHUNKW, _CHUNKW)],
            idxbufs[b], idx_sems[b])

    for r in range(_ROUNDS):
        d = wid + r * _NW
        row_copy = pltpu.make_async_copy(table_hbm.at[d], row_v, row_sem)
        row_copy.start()
        _idx_copy(0, 0).start()
        row_copy.wait()

        @pl.loop(0, _NBCHUNK, step=2, unroll=1)
        def _chunk_loop(j):
            for b in range(2):
                chunk = j + b
                _idx_copy(chunk, b).wait()

                @pl.when(chunk + 1 < _NBCHUNK)
                def _():
                    _idx_copy(chunk + 1, 1 - b).start()

                idxb_v = idxbufs[b]

                @plsc.parallel_loop(0, _BCHUNK // _L)
                def _vec_loop(bb):
                    off = bb * _L
                    acc0 = plsc.load_gather(
                        row_v, [idxb_v[pl.ds(off, _L)]])
                    acc1 = plsc.load_gather(
                        row_v, [idxb_v[pl.ds(_BCHUNK + off, _L)]])
                    for c in range(2, _C, 2):
                        acc0 = acc0 + plsc.load_gather(
                            row_v, [idxb_v[pl.ds(c * _BCHUNK + off, _L)]])
                        acc1 = acc1 + plsc.load_gather(
                            row_v,
                            [idxb_v[pl.ds((c + 1) * _BCHUNK + off, _L)]])
                    outr_v[pl.ds(chunk * _BCHUNK + off, _L)] = (
                        (acc0 + acc1) * inv_c)

        pltpu.sync_copy(outr_v, out_hbm.at[d])


@jax.jit
def _cbow_sc(idx_flat, table_t):
    mesh = plsc.VectorSubcoreMesh(
        core_axis_name="c", subcore_axis_name="s",
        num_cores=_NC, num_subcores=_NS)
    f = pl.kernel(
        _cbow_body,
        out_type=jax.ShapeDtypeStruct((_D, _B), jnp.float32),
        mesh=mesh,
        scratch_types=[
            pltpu.VMEM((_VOCAB,), jnp.float32),
            tuple(pltpu.VMEM((_CHUNKW,), jnp.int32) for _ in range(2)),
            pltpu.VMEM((_B,), jnp.float32),
            pltpu.VMEM_SHARED((_B * _C,), jnp.int32),
            pltpu.SemaphoreType.DMA,
            tuple(pltpu.SemaphoreType.DMA for _ in range(2)),
        ],
        compiler_params=pltpu.CompilerParams(
            use_tc_tiling_on_sc=True, needs_layout_passes=False),
    )
    return f(idx_flat, table_t)


def kernel(context_indices, in_embed):
    idx_flat = (context_indices.astype(jnp.int32).T
                .reshape(_C, _NBCHUNK, _BCHUNK)
                .transpose(1, 0, 2).reshape(-1))
    table_t = in_embed.T
    out_t = _cbow_sc(idx_flat, table_t)
    return out_t.T

# --- scband reference (transcript-rebuilt; emitter-appended) ---
"""Pipeline reference for scband-cbow-47863115546798 (READ-ONLY COPY).

The authoritative reference and input builder live on the scoring server;
editing this copy changes nothing except your own understanding.
"""

import jax, jax.numpy as jnp
import numpy as np

VOCAB = 100000
EMBED_DIM = 64
BATCH = 4096
CTX = 20

def setup_inputs(seed: int = 0) -> dict:
    key = jax.random.key(seed)
    k1, k2 = jax.random.split(key)
    context_indices = jax.random.randint(k1, (BATCH, CTX), 0, VOCAB, dtype=jnp.int64 if jax.config.jax_enable_x64 else jnp.int32)
    init_range = 0.5 / EMBED_DIM
    in_embed = jax.random.uniform(k2, (VOCAB, EMBED_DIM), dtype=jnp.float32, minval=-init_range, maxval=init_range)
    return {"context_indices": context_indices, "in_embed": in_embed}

def reference(context_indices, in_embed):
    # CBOW forward: gather input embeddings for context words, average over context dim
    embedded = jnp.take(in_embed, context_indices, axis=0)  # (B, C, D)
    return embedded.mean(axis=1)  # (B, D)

if __name__ == "__main__":
    import jax
    _d = setup_inputs()
    print(jax.jit(kernel)(*tuple(_d.values())))

</pallas_src>

<mosaic_0001>
#map = affine_map<(d0, d1) -> (0)>
#map1 = affine_map<(d0, d1) -> (0, 0)>
module attributes {stable_mosaic.version = 14 : i64} {
  func.func @_cbow_body(%arg0: i32, %arg1: i32, %arg2: memref<81920xi32, #tpu.memory_space<hbm>>, %arg3: memref<64x100000xf32, #tpu.memory_space<hbm>>, %arg4: memref<64x4096xf32, #tpu.memory_space<hbm>>, %arg5: memref<100000xf32, #tpu.memory_space<vmem>>, %arg6: memref<10240xi32, #tpu.memory_space<vmem>>, %arg7: memref<10240xi32, #tpu.memory_space<vmem>>, %arg8: memref<4096xf32, #tpu.memory_space<vmem>>, %arg9: memref<81920xi32, #tpu.memory_space<vmem_shared>>, %arg10: memref<!tpu.dma_semaphore, #tpu.memory_space<semaphore_mem>>, %arg11: memref<!tpu.dma_semaphore, #tpu.memory_space<semaphore_mem>>, %arg12: memref<!tpu.dma_semaphore, #tpu.memory_space<semaphore_mem>>) attributes {dimension_semantics = [#tpu.dimension_semantics<core_parallel>, #tpu.dimension_semantics<subcore_parallel>], iteration_bounds = array<i64: 2, 16>, scalar_prefetch = 0 : i64, scratch_operands = 8 : i64, tpu.core_type = #tpu.core_type<sc_vector_subcore>, window_params = [{transform_indices = #map}, {transform_indices = #map1}, {transform_indices = #map1}]} {
    %mul3A = arith.constant 2 : i32
    %mul3A_0 = arith.muli %arg1, %mul3A : i32
    %add3A = arith.addi %mul3A_0, %arg0 : i32
    %eq3A = arith.constant 0 : i32
    %eq3A_1 = arith.cmpi eq, %arg1, %eq3A : i32
    %convert_element_type3A = arith.extui %eq3A_1 : i1 to i32
    %cond3A = arith.constant 0 : i32
    %cond3A_2 = arith.cmpi ne, %convert_element_type3A, %cond3A : i32
    scf.if %cond3A_2 {
      "tpu.region"() ({
        %run_scoped3A = tpu.sem_alloc : memref<!tpu.dma_semaphore, #tpu.memory_space<semaphore_mem>>
        tpu.enqueue_dma source(%arg2 : memref<81920xi32, #tpu.memory_space<hbm>>) target(%arg9 : memref<81920xi32, #tpu.memory_space<vmem_shared>>) target_semaphore(%run_scoped3A : memref<!tpu.dma_semaphore, #tpu.memory_space<semaphore_mem>>)
        tpu.wait_dma2 semaphore(%run_scoped3A : memref<!tpu.dma_semaphore, #tpu.memory_space<semaphore_mem>>) src(%arg2 : memref<81920xi32, #tpu.memory_space<hbm>>) dst(%arg9 : memref<81920xi32, #tpu.memory_space<vmem_shared>>)
        tpu.yield
      }) : () -> ()
    } else {
    }
    %barrier3A = arith.constant 0 : index
    tpu.barrier barrier_id(%barrier3A)
    %add3A_3 = arith.constant 0 : i32
    %add3A_4 = arith.addi %add3A, %add3A_3 : i32
    %dma_start3A = arith.constant 0 : i32
    %dma_start3A_5 = tpu.memref_slice %arg3[%add3A_4, %dma_start3A] : memref<64x100000xf32, #tpu.memory_space<hbm>> -> memref<1x100000xf32, #tpu.memory_space<hbm>>
    %dma_start3A_6 = tpu.memref_squeeze %dma_start3A_5 : memref<1x100000xf32, #tpu.memory_space<hbm>> -> memref<100000xf32, #tpu.memory_space<hbm>>
    %dma_start3A_7 = arith.constant 0 : i32
    %dma_start3A_8 = tpu.memref_slice %arg3[%add3A_4, %dma_start3A_7] : memref<64x100000xf32, #tpu.memory_space<hbm>> -> memref<1x100000xf32, #tpu.memory_space<hbm>>
    %dma_start3A_9 = tpu.memref_squeeze %dma_start3A_8 : memref<1x100000xf32, #tpu.memory_space<hbm>> -> memref<100000xf32, #tpu.memory_space<hbm>>
    tpu.enqueue_dma source(%dma_start3A_9 : memref<100000xf32, #tpu.memory_space<hbm>>) target(%arg5 : memref<100000xf32, #tpu.memory_space<vmem>>) target_semaphore(%arg10 : memref<!tpu.dma_semaphore, #tpu.memory_space<semaphore_mem>>)
    %dma_start3A_10 = arith.constant 0 : i32
    %dma_start3A_11 = tpu.memref_slice %arg9[%dma_start3A_10] : memref<81920xi32, #tpu.memory_space<vmem_shared>> -> memref<10240xi32, #tpu.memory_space<vmem_shared>>
    %dma_start3A_12 = arith.constant 0 : i32
    %dma_start3A_13 = tpu.memref_slice %arg9[%dma_start3A_12] : memref<81920xi32, #tpu.memory_space<vmem_shared>> -> memref<10240xi32, #tpu.memory_space<vmem_shared>>
    tpu.enqueue_dma source(%dma_start3A_13 : memref<10240xi32, #tpu.memory_space<vmem_shared>>) target(%arg6 : memref<10240xi32, #tpu.memory_space<vmem>>) target_semaphore(%arg11 : memref<!tpu.dma_semaphore, #tpu.memory_space<semaphore_mem>>)
    %dma_wait3A = arith.constant 0 : i32
    %dma_wait3A_14 = tpu.memref_slice %arg3[%add3A_4, %dma_wait3A] : memref<64x100000xf32, #tpu.memory_space<hbm>> -> memref<1x100000xf32, #tpu.memory_space<hbm>>
    %dma_wait3A_15 = tpu.memref_squeeze %dma_wait3A_14 : memref<1x100000xf32, #tpu.memory_space<hbm>> -> memref<100000xf32, #tpu.memory_space<hbm>>
    %dma_wait3A_16 = arith.constant 0 : i32
    %dma_wait3A_17 = tpu.memref_slice %arg3[%add3A_4, %dma_wait3A_16] : memref<64x100000xf32, #tpu.memory_space<hbm>> -> memref<1x100000xf32, #tpu.memory_space<hbm>>
    %dma_wait3A_18 = tpu.memref_squeeze %dma_wait3A_17 : memref<1x100000xf32, #tpu.memory_space<hbm>> -> memref<100000xf32, #tpu.memory_space<hbm>>
    tpu.wait_dma2 semaphore(%arg10 : memref<!tpu.dma_semaphore, #tpu.memory_space<semaphore_mem>>) src(%dma_wait3A_18 : memref<100000xf32, #tpu.memory_space<hbm>>) dst(%arg5 : memref<100000xf32, #tpu.memory_space<vmem>>)
    %scan3A = arith.constant 5.000000e-02 : f32
    %scan3A_19 = arith.constant 0 : i32
    %scan3A_20 = arith.constant 4 : i32
    %scan3A_21 = arith.addi %scan3A_19, %scan3A_20 : i32
    %scan3A_22 = arith.constant 1 : i32
    scf.for %scan3A_48 = %scan3A_19 to %scan3A_21 step %scan3A_22  : i32 {
      %mul3A_49 = arith.constant 2 : i32
      %mul3A_50 = arith.muli %scan3A_48, %mul3A_49 : i32
      %add3A_51 = arith.constant 0 : i32
      %add3A_52 = arith.addi %add3A_51, %mul3A_50 : i32
      %add3A_53 = arith.constant 0 : i32
      %add3A_54 = arith.addi %add3A_52, %add3A_53 : i32
      %mul3A_55 = arith.constant 10240 : i32
      %mul3A_56 = arith.muli %add3A_54, %mul3A_55 : i32
      %dma_wait3A_57 = tpu.memref_slice %arg9[%mul3A_56] : memref<81920xi32, #tpu.memory_space<vmem_shared>> -> memref<10240xi32, #tpu.memory_space<vmem_shared>>
      %dma_wait3A_58 = tpu.memref_slice %arg9[%mul3A_56] : memref<81920xi32, #tpu.memory_space<vmem_shared>> -> memref<10240xi32, #tpu.memory_space<vmem_shared>>
      tpu.wait_dma2 semaphore(%arg11 : memref<!tpu.dma_semaphore, #tpu.memory_space<semaphore_mem>>) src(%dma_wait3A_58 : memref<10240xi32, #tpu.memory_space<vmem_shared>>) dst(%arg6 : memref<10240xi32, #tpu.memory_space<vmem>>)
      %add3A_59 = arith.constant 1 : i32
      %add3A_60 = arith.addi %add3A_54, %add3A_59 : i32
      %lt3A = arith.constant 8 : i32
      %lt3A_61 = arith.cmpi slt, %add3A_60, %lt3A : i32
      %convert_element_type3A_62 = arith.extui %lt3A_61 : i1 to i32
      %cond3A_63 = arith.constant 0 : i32
      %cond3A_64 = arith.cmpi ne, %convert_element_type3A_62, %cond3A_63 : i32
      scf.if %cond3A_64 {
        %add3A_83 = arith.constant 1 : i32
        %add3A_84 = arith.addi %add3A_54, %add3A_83 : i32
        %mul3A_85 = arith.constant 10240 : i32
        %mul3A_86 = arith.muli %add3A_84, %mul3A_85 : i32
        %dma_start3A_87 = tpu.memref_slice %arg9[%mul3A_86] : memref<81920xi32, #tpu.memory_space<vmem_shared>> -> memref<10240xi32, #tpu.memory_space<vmem_shared>>
        %dma_start3A_88 = tpu.memref_slice %arg9[%mul3A_86] : memref<81920xi32, #tpu.memory_space<vmem_shared>> -> memref<10240xi32, #tpu.memory_space<vmem_shared>>
        tpu.enqueue_dma source(%dma_start3A_88 : memref<10240xi32, #tpu.memory_space<vmem_shared>>) target(%arg7 : memref<10240xi32, #tpu.memory_space<vmem>>) target_semaphore(%arg12 : memref<!tpu.dma_semaphore, #tpu.memory_space<semaphore_mem>>)
      } else {
      }
      %parallel_loop3A = arith.constant 0 : i32
      %parallel_loop3A_65 = arith.constant 32 : i32
      %parallel_loop3A_66 = arith.constant 1 : i32
      scf.for %parallel_loop3A_83 = %parallel_loop3A to %parallel_loop3A_65 step %parallel_loop3A_66  : i32 {
        %parallel_loop3A_84 = arith.constant 16 : i32
        %parallel_loop3A_85 = arith.muli %parallel_loop3A_83, %parallel_loop3A_84 : i32
        %parallel_loop3A_86 = arith.index_cast %parallel_loop3A_85 : i32 to index
        %parallel_loop3A_87 = tpu.vector_load %arg6[%parallel_loop3A_86] {strides = array<i32>} : memref<10240xi32, #tpu.memory_space<vmem>>, vector<16xi32>,
        %parallel_loop3A_88 = tpu.vector_load_idx %arg5[%parallel_loop3A_87] : memref<100000xf32, #tpu.memory_space<vmem>>[vector<16xi32>], vector<16xf32>,
        %parallel_loop3A_89 = arith.constant 512 : i32
        %parallel_loop3A_90 = arith.addi %parallel_loop3A_89, %parallel_loop3A_85 : i32
        %parallel_loop3A_91 = arith.index_cast %parallel_loop3A_90 : i32 to index
        %parallel_loop3A_92 = tpu.vector_load %arg6[%parallel_loop3A_91] {strides = array<i32>} : memref<10240xi32, #tpu.memory_space<vmem>>, vector<16xi32>,
        %parallel_loop3A_93 = tpu.vector_load_idx %arg5[%parallel_loop3A_92] : memref<100000xf32, #tpu.memory_space<vmem>>[vector<16xi32>], vector<16xf32>,
        %parallel_loop3A_94 = arith.constant 1024 : i32
        %parallel_loop3A_95 = arith.addi %parallel_loop3A_94, %parallel_loop3A_85 : i32
        %parallel_loop3A_96 = arith.index_cast %parallel_loop3A_95 : i32 to index
        %parallel_loop3A_97 = tpu.vector_load %arg6[%parallel_loop3A_96] {strides = array<i32>} : memref<10240xi32, #tpu.memory_space<vmem>>, vector<16xi32>,
        %parallel_loop3A_98 = tpu.vector_load_idx %arg5[%parallel_loop3A_97] : memref<100000xf32, #tpu.memory_space<vmem>>[vector<16xi32>], vector<16xf32>,
        %parallel_loop3A_99 = arith.addf %parallel_loop3A_88, %parallel_loop3A_98 : vector<16xf32>
        %parallel_loop3A_100 = arith.constant 1536 : i32
        %parallel_loop3A_101 = arith.addi %parallel_loop3A_100, %parallel_loop3A_85 : i32
        %parallel_loop3A_102 = arith.index_cast %parallel_loop3A_101 : i32 to index
        %parallel_loop3A_103 = tpu.vector_load %arg6[%parallel_loop3A_102] {strides = array<i32>} : memref<10240xi32, #tpu.memory_space<vmem>>, vector<16xi32>,
        %parallel_loop3A_104 = tpu.vector_load_idx %arg5[%parallel_loop3A_103] : memref<100000xf32, #tpu.memory_space<vmem>>[vector<16xi32>], vector<16xf32>,
        %parallel_loop3A_105 = arith.addf %parallel_loop3A_93, %parallel_loop3A_104 : vector<16xf32>
        %parallel_loop3A_106 = arith.constant 2048 : i32
        %parallel_loop3A_107 = arith.addi %parallel_loop3A_106, %parallel_loop3A_85 : i32
        %parallel_loop3A_108 = arith.index_cast %parallel_loop3A_107 : i32 to index
        %parallel_loop3A_109 = tpu.vector_load %arg6[%parallel_loop3A_108] {strides = array<i32>} : memref<10240xi32, #tpu.memory_space<vmem>>, vector<16xi32>,
        %parallel_loop3A_110 = tpu.vector_load_idx %arg5[%parallel_loop3A_109] : memref<100000xf32, #tpu.memory_space<vmem>>[vector<16xi32>], vector<16xf32>,
        %parallel_loop3A_111 = arith.addf %parallel_loop3A_99, %parallel_loop3A_110 : vector<16xf32>
        %parallel_loop3A_112 = arith.constant 2560 : i32
        %parallel_loop3A_113 = arith.addi %parallel_loop3A_112, %parallel_loop3A_85 : i32
        %parallel_loop3A_114 = arith.index_cast %parallel_loop3A_113 : i32 to index
        %parallel_loop3A_115 = tpu.vector_load %arg6[%parallel_loop3A_114] {strides = array<i32>} : memref<10240xi32, #tpu.memory_space<vmem>>, vector<16xi32>,
        %parallel_loop3A_116 = tpu.vector_load_idx %arg5[%parallel_loop3A_115] : memref<100000xf32, #tpu.memory_space<vmem>>[vector<16xi32>], vector<16xf32>,
        %parallel_loop3A_117 = arith.addf %parallel_loop3A_105, %parallel_loop3A_116 : vector<16xf32>
        %parallel_loop3A_118 = arith.constant 3072 : i32
        %parallel_loop3A_119 = arith.addi %parallel_loop3A_118, %parallel_loop3A_85 : i32
        %parallel_loop3A_120 = arith.index_cast %parallel_loop3A_119 : i32 to index
        %parallel_loop3A_121 = tpu.vector_load %arg6[%parallel_loop3A_120] {strides = array<i32>} : memref<10240xi32, #tpu.memory_space<vmem>>, vector<16xi32>,
        %parallel_loop3A_122 = tpu.vector_load_idx %arg5[%parallel_loop3A_121] : memref<100000xf32, #tpu.memory_space<vmem>>[vector<16xi32>], vector<16xf32>,
        %parallel_loop3A_123 = arith.addf %parallel_loop3A_111, %parallel_loop3A_122 : vector<16xf32>
        %parallel_loop3A_124 = arith.constant 3584 : i32
        %parallel_loop3A_125 = arith.addi %parallel_loop3A_124, %parallel_loop3A_85 : i32
        %parallel_loop3A_126 = arith.index_cast %parallel_loop3A_125 : i32 to index
        %parallel_loop3A_127 = tpu.vector_load %arg6[%parallel_loop3A_126] {strides = array<i32>} : memref<10240xi32, #tpu.memory_space<vmem>>, vector<16xi32>,
        %parallel_loop3A_128 = tpu.vector_load_idx %arg5[%parallel_loop3A_127] : memref<100000xf32, #tpu.memory_space<vmem>>[vector<16xi32>], vector<16xf32>,
        %parallel_loop3A_129 = arith.addf %parallel_loop3A_117, %parallel_loop3A_128 : vector<16xf32>
        %parallel_loop3A_130 = arith.constant 4096 : i32
        %parallel_loop3A_131 = arith.addi %parallel_loop3A_130, %parallel_loop3A_85 : i32
        %parallel_loop3A_132 = arith.index_cast %parallel_loop3A_131 : i32 to index
        %parallel_loop3A_133 = tpu.vector_load %arg6[%parallel_loop3A_132] {strides = array<i32>} : memref<10240xi32, #tpu.memory_space<vmem>>, vector<16xi32>,
        %parallel_loop3A_134 = tpu.vector_load_idx %arg5[%parallel_loop3A_133] : memref<100000xf32, #tpu.memory_space<vmem>>[vector<16xi32>], vector<16xf32>,
        %parallel_loop3A_135 = arith.addf %parallel_loop3A_123, %parallel_loop3A_134 : vector<16xf32>
        %parallel_loop3A_136 = arith.constant 4608 : i32
        %parallel_loop3A_137 = arith.addi %parallel_loop3A_136, %parallel_loop3A_85 : i32
        %parallel_loop3A_138 = arith.index_cast %parallel_loop3A_137 : i32 to index
        %parallel_loop3A_139 = tpu.vector_load %arg6[%parallel_loop3A_138] {strides = array<i32>} : memref<10240xi32, #tpu.memory_space<vmem>>, vector<16xi32>,
        %parallel_loop3A_140 = tpu.vector_load_idx %arg5[%parallel_loop3A_139] : memref<100000xf32, #tpu.memory_space<vmem>>[vector<16xi32>], vector<16xf32>,
        %parallel_loop3A_141 = arith.addf %parallel_loop3A_129, %parallel_loop3A_140 : vector<16xf32>
        %parallel_loop3A_142 = arith.constant 5120 : i32
        %parallel_loop3A_143 = arith.addi %parallel_loop3A_142, %parallel_loop3A_85 : i32
        %parallel_loop3A_144 = arith.index_cast %parallel_loop3A_143 : i32 to index
        %parallel_loop3A_145 = tpu.vector_load %arg6[%parallel_loop3A_144] {strides = array<i32>} : memref<10240xi32, #tpu.memory_space<vmem>>, vector<16xi32>,
        %parallel_loop3A_146 = tpu.vector_load_idx %arg5[%parallel_loop3A_145] : memref<100000xf32, #tpu.memory_space<vmem>>[vector<16xi32>], vector<16xf32>,
        %parallel_loop3A_147 = arith.addf %parallel_loop3A_135, %parallel_loop3A_146 : vector<16xf32>
        %parallel_loop3A_148 = arith.constant 5632 : i32
        %parallel_loop3A_149 = arith.addi %parallel_loop3A_148, %parallel_loop3A_85 : i32
        %parallel_loop3A_150 = arith.index_cast %parallel_loop3A_149 : i32 to index
        %parallel_loop3A_151 = tpu.vector_load %arg6[%parallel_loop3A_150] {strides = array<i32>} : memref<10240xi32, #tpu.memory_space<vmem>>, vector<16xi32>,
        %parallel_loop3A_152 = tpu.vector_load_idx %arg5[%parallel_loop3A_151] : memref<100000xf32, #tpu.memory_space<vmem>>[vector<16xi32>], vector<16xf32>,
        %parallel_loop3A_153 = arith.addf %parallel_loop3A_141, %parallel_loop3A_152 : vector<16xf32>
        %parallel_loop3A_154 = arith.constant 6144 : i32
        %parallel_loop3A_155 = arith.addi %parallel_loop3A_154, %parallel_loop3A_85 : i32
        %parallel_loop3A_156 = arith.index_cast %parallel_loop3A_155 : i32 to index
        %parallel_loop3A_157 = tpu.vector_load %arg6[%parallel_loop3A_156] {strides = array<i32>} : memref<10240xi32, #tpu.memory_space<vmem>>, vector<16xi32>,
        %parallel_loop3A_158 = tpu.vector_load_idx %arg5[%parallel_loop3A_157] : memref<100000xf32, #tpu.memory_space<vmem>>[vector<16xi32>], vector<16xf32>,
        %parallel_loop3A_159 = arith.addf %parallel_loop3A_147, %parallel_loop3A_158 : vector<16xf32>
        %parallel_loop3A_160 = arith.constant 6656 : i32
        %parallel_loop3A_161 = arith.addi %parallel_loop3A_160, %parallel_loop3A_85 : i32
        %parallel_loop3A_162 = arith.index_cast %parallel_loop3A_161 : i32 to index
        %parallel_loop3A_163 = tpu.vector_load %arg6[%parallel_loop3A_162] {strides = array<i32>} : memref<10240xi32, #tpu.memory_space<vmem>>, vector<16xi32>,
        %parallel_loop3A_164 = tpu.vector_load_idx %arg5[%parallel_loop3A_163] : memref<100000xf32, #tpu.memory_space<vmem>>[vector<16xi32>], vector<16xf32>,
        %parallel_loop3A_165 = arith.addf %parallel_loop3A_153, %parallel_loop3A_164 : vector<16xf32>
        %parallel_loop3A_166 = arith.constant 7168 : i32
        %parallel_loop3A_167 = arith.addi %parallel_loop3A_166, %parallel_loop3A_85 : i32
        %parallel_loop3A_168 = arith.index_cast %parallel_loop3A_167 : i32 to index
        %parallel_loop3A_169 = tpu.vector_load %arg6[%parallel_loop3A_168] {strides = array<i32>} : memref<10240xi32, #tpu.memory_space<vmem>>, vector<16xi32>,
        %parallel_loop3A_170 = tpu.vector_load_idx %arg5[%parallel_loop3A_169] : memref<100000xf32, #tpu.memory_space<vmem>>[vector<16xi32>], vector<16xf32>,
        %parallel_loop3A_171 = arith.addf %parallel_loop3A_159, %parallel_loop3A_170 : vector<16xf32>
        %parallel_loop3A_172 = arith.constant 7680 : i32
        %parallel_loop3A_173 = arith.addi %parallel_loop3A_172, %parallel_loop3A_85 : i32
        %parallel_loop3A_174 = arith.index_cast %parallel_loop3A_173 : i32 to index
        %parallel_loop3A_175 = tpu.vector_load %arg6[%parallel_loop3A_174] {strides = array<i32>} : memref<10240xi32, #tpu.memory_space<vmem>>, vector<16xi32>,
        %parallel_loop3A_176 = tpu.vector_load_idx %arg5[%parallel_loop3A_175] : memref<100000xf32, #tpu.memory_space<vmem>>[vector<16xi32>], vector<16xf32>,
        %parallel_loop3A_177 = arith.addf %parallel_loop3A_165, %parallel_loop3A_176 : vector<16xf32>
        %parallel_loop3A_178 = arith.constant 8192 : i32
        %parallel_loop3A_179 = arith.addi %parallel_loop3A_178, %parallel_loop3A_85 : i32
        %parallel_loop3A_180 = arith.index_cast %parallel_loop3A_179 : i32 to index
        %parallel_loop3A_181 = tpu.vector_load %arg6[%parallel_loop3A_180] {strides = array<i32>} : memref<10240xi32, #tpu.memory_space<vmem>>, vector<16xi32>,
        %parallel_loop3A_182 = tpu.vector_load_idx %arg5[%parallel_loop3A_181] : memref<100000xf32, #tpu.memory_space<vmem>>[vector<16xi32>], vector<16xf32>,
        %parallel_loop3A_183 = arith.addf %parallel_loop3A_171, %parallel_loop3A_182 : vector<16xf32>
        %parallel_loop3A_184 = arith.constant 8704 : i32
        %parallel_loop3A_185 = arith.addi %parallel_loop3A_184, %parallel_loop3A_85 : i32
        %parallel_loop3A_186 = arith.index_cast %parallel_loop3A_185 : i32 to index
        %parallel_loop3A_187 = tpu.vector_load %arg6[%parallel_loop3A_186] {strides = array<i32>} : memref<10240xi32, #tpu.memory_space<vmem>>, vector<16xi32>,
        %parallel_loop3A_188 = tpu.vector_load_idx %arg5[%parallel_loop3A_187] : memref<100000xf32, #tpu.memory_space<vmem>>[vector<16xi32>], vector<16xf32>,
        %parallel_loop3A_189 = arith.addf %parallel_loop3A_177, %parallel_loop3A_188 : vector<16xf32>
        %parallel_loop3A_190 = arith.constant 9216 : i32
        %parallel_loop3A_191 = arith.addi %parallel_loop3A_190, %parallel_loop3A_85 : i32
        %parallel_loop3A_192 = arith.index_cast %parallel_loop3A_191 : i32 to index
        %parallel_loop3A_193 = tpu.vector_load %arg6[%parallel_loop3A_192] {strides = array<i32>} : memref<10240xi32, #tpu.memory_space<vmem>>, vector<16xi32>,
        %parallel_loop3A_194 = tpu.vector_load_idx %arg5[%parallel_loop3A_193] : memref<100000xf32, #tpu.memory_space<vmem>>[vector<16xi32>], vector<16xf32>,
        %parallel_loop3A_195 = arith.addf %parallel_loop3A_183, %parallel_loop3A_194 : vector<16xf32>
        %parallel_loop3A_196 = arith.constant 9728 : i32
        %parallel_loop3A_197 = arith.addi %parallel_loop3A_196, %parallel_loop3A_85 : i32
        %parallel_loop3A_198 = arith.index_cast %parallel_loop3A_197 : i32 to index
        %parallel_loop3A_199 = tpu.vector_load %arg6[%parallel_loop3A_198] {strides = array<i32>} : memref<10240xi32, #tpu.memory_space<vmem>>, vector<16xi32>,
        %parallel_loop3A_200 = tpu.vector_load_idx %arg5[%parallel_loop3A_199] : memref<100000xf32, #tpu.memory_space<vmem>>[vector<16xi32>], vector<16xf32>,
        %parallel_loop3A_201 = arith.addf %parallel_loop3A_189, %parallel_loop3A_200 : vector<16xf32>
        %parallel_loop3A_202 = arith.addf %parallel_loop3A_195, %parallel_loop3A_201 : vector<16xf32>
        %parallel_loop3A_203 = vector.broadcast %scan3A : f32 to vector<16xf32>
        %parallel_loop3A_204 = arith.mulf %parallel_loop3A_202, %parallel_loop3A_203 : vector<16xf32>
        %parallel_loop3A_205 = arith.constant 512 : i32
        %parallel_loop3A_206 = arith.muli %add3A_54, %parallel_loop3A_205 : i32
        %parallel_loop3A_207 = arith.addi %parallel_loop3A_206, %parallel_loop3A_85 : i32
        %parallel_loop3A_208 = arith.index_cast %parallel_loop3A_207 : i32 to index
        %parallel_loop3A_209 = tpu.vector_load %arg8[%parallel_loop3A_208] {strides = array<i32>} : memref<4096xf32, #tpu.memory_space<vmem>>, vector<16xf32>,
        tpu.vector_store %arg8[%parallel_loop3A_208], %parallel_loop3A_204 {strides = array<i32>} : memref<4096xf32, #tpu.memory_space<vmem>>, vector<16xf32>,
      } {sc.loop_unroll_factor = 1 : i64, sc.parallel_access}
      %add3A_67 = arith.constant 1 : i32
      %add3A_68 = arith.addi %add3A_52, %add3A_67 : i32
      %mul3A_69 = arith.constant 10240 : i32
      %mul3A_70 = arith.muli %add3A_68, %mul3A_69 : i32
      %dma_wait3A_71 = tpu.memref_slice %arg9[%mul3A_70] : memref<81920xi32, #tpu.memory_space<vmem_shared>> -> memref<10240xi32, #tpu.memory_space<vmem_shared>>
      %dma_wait3A_72 = tpu.memref_slice %arg9[%mul3A_70] : memref<81920xi32, #tpu.memory_space<vmem_shared>> -> memref<10240xi32, #tpu.memory_space<vmem_shared>>
      tpu.wait_dma2 semaphore(%arg12 : memref<!tpu.dma_semaphore, #tpu.memory_space<semaphore_mem>>) src(%dma_wait3A_72 : memref<10240xi32, #tpu.memory_space<vmem_shared>>) dst(%arg7 : memref<10240xi32, #tpu.memory_space<vmem>>)
      %add3A_73 = arith.constant 1 : i32
      %add3A_74 = arith.addi %add3A_68, %add3A_73 : i32
      %lt3A_75 = arith.constant 8 : i32
      %lt3A_76 = arith.cmpi slt, %add3A_74, %lt3A_75 : i32
      %convert_element_type3A_77 = arith.extui %lt3A_76 : i1 to i32
      %cond3A_78 = arith.constant 0 : i32
      %cond3A_79 = arith.cmpi ne, %convert_element_type3A_77, %cond3A_78 : i32
      scf.if %cond3A_79 {
        %add3A_83 = arith.constant 1 : i32
        %add3A_84 = arith.addi %add3A_68, %add3A_83 : i32
        %mul3A_85 = arith.constant 10240 : i32
        %mul3A_86 = arith.muli %add3A_84, %mul3A_85 : i32
        %dma_start3A_87 = tpu.memref_slice %arg9[%mul3A_86] : memref<81920xi32, #tpu.memory_space<vmem_shared>> -> memref<10240xi32, #tpu.memory_space<vmem_shared>>
        %dma_start3A_88 = tpu.memref_slice %arg9[%mul3A_86] : memref<81920xi32, #tpu.memory_space<vmem_shared>> -> memref<10240xi32, #tpu.memory_space<vmem_shared>>
        tpu.enqueue_dma source(%dma_start3A_88 : memref<10240xi32, #tpu.memory_space<vmem_shared>>) target(%arg6 : memref<10240xi32, #tpu.memory_space<vmem>>) target_semaphore(%arg11 : memref<!tpu.dma_semaphore, #tpu.memory_space<semaphore_mem>>)
      } else {
      }
      %parallel_loop3A_80 = arith.constant 0 : i32
      %parallel_loop3A_81 = arith.constant 32 : i32
      %parallel_loop3A_82 = arith.constant 1 : i32
      scf.for %parallel_loop3A_83 = %parallel_loop3A_80 to %parallel_loop3A_81 step %parallel_loop3A_82  : i32 {
        %parallel_loop3A_84 = arith.constant 16 : i32
        %parallel_loop3A_85 = arith.muli %parallel_loop3A_83, %parallel_loop3A_84 : i32
        %parallel_loop3A_86 = arith.index_cast %parallel_loop3A_85 : i32 to index
        %parallel_loop3A_87 = tpu.vector_load %arg7[%parallel_loop3A_86] {strides = array<i32>} : memref<10240xi32, #tpu.memory_space<vmem>>, vector<16xi32>,
        %parallel_loop3A_88 = tpu.vector_load_idx %arg5[%parallel_loop3A_87] : memref<100000xf32, #tpu.memory_space<vmem>>[vector<16xi32>], vector<16xf32>,
        %parallel_loop3A_89 = arith.constant 512 : i32
        %parallel_loop3A_90 = arith.addi %parallel_loop3A_89, %parallel_loop3A_85 : i32
        %parallel_loop3A_91 = arith.index_cast %parallel_loop3A_90 : i32 to index
        %parallel_loop3A_92 = tpu.vector_load %arg7[%parallel_loop3A_91] {strides = array<i32>} : memref<10240xi32, #tpu.memory_space<vmem>>, vector<16xi32>,
        %parallel_loop3A_93 = tpu.vector_load_idx %arg5[%parallel_loop3A_92] : memref<100000xf32, #tpu.memory_space<vmem>>[vector<16xi32>], vector<16xf32>,
        %parallel_loop3A_94 = arith.constant 1024 : i32
        %parallel_loop3A_95 = arith.addi %parallel_loop3A_94, %parallel_loop3A_85 : i32
        %parallel_loop3A_96 = arith.index_cast %parallel_loop3A_95 : i32 to index
        %parallel_loop3A_97 = tpu.vector_load %arg7[%parallel_loop3A_96] {strides = array<i32>} : memref<10240xi32, #tpu.memory_space<vmem>>, vector<16xi32>,
        %parallel_loop3A_98 = tpu.vector_load_idx %arg5[%parallel_loop3A_97] : memref<100000xf32, #tpu.memory_space<vmem>>[vector<16xi32>], vector<16xf32>,
        %parallel_loop3A_99 = arith.addf %parallel_loop3A_88, %parallel_loop3A_98 : vector<16xf32>
        %parallel_loop3A_100 = arith.constant 1536 : i32
        %parallel_loop3A_101 = arith.addi %parallel_loop3A_100, %parallel_loop3A_85 : i32
        %parallel_loop3A_102 = arith.index_cast %parallel_loop3A_101 : i32 to index
        %parallel_loop3A_103 = tpu.vector_load %arg7[%parallel_loop3A_102] {strides = array<i32>} : memref<10240xi32, #tpu.memory_space<vmem>>, vector<16xi32>,
        %parallel_loop3A_104 = tpu.vector_load_idx %arg5[%parallel_loop3A_103] : memref<100000xf32, #tpu.memory_space<vmem>>[vector<16xi32>], vector<16xf32>,
        %parallel_loop3A_105 = arith.addf %parallel_loop3A_93, %parallel_loop3A_104 : vector<16xf32>
        %parallel_loop3A_106 = arith.constant 2048 : i32
        %parallel_loop3A_107 = arith.addi %parallel_loop3A_106, %parallel_loop3A_85 : i32
        %parallel_loop3A_108 = arith.index_cast %parallel_loop3A_107 : i32 to index
        %parallel_loop3A_109 = tpu.vector_load %arg7[%parallel_loop3A_108] {strides = array<i32>} : memref<10240xi32, #tpu.memory_space<vmem>>, vector<16xi32>,
        %parallel_loop3A_110 = tpu.vector_load_idx %arg5[%parallel_loop3A_109] : memref<100000xf32, #tpu.memory_space<vmem>>[vector<16xi32>], vector<16xf32>,
        %parallel_loop3A_111 = arith.addf %parallel_loop3A_99, %parallel_loop3A_110 : vector<16xf32>
        %parallel_loop3A_112 = arith.constant 2560 : i32
        %parallel_loop3A_113 = arith.addi %parallel_loop3A_112, %parallel_loop3A_85 : i32
        %parallel_loop3A_114 = arith.index_cast %parallel_loop3A_113 : i32 to index
        %parallel_loop3A_115 = tpu.vector_load %arg7[%parallel_loop3A_114] {strides = array<i32>} : memref<10240xi32, #tpu.memory_space<vmem>>, vector<16xi32>,
        %parallel_loop3A_116 = tpu.vector_load_idx %arg5[%parallel_loop3A_115] : memref<100000xf32, #tpu.memory_space<vmem>>[vector<16xi32>], vector<16xf32>,
        %parallel_loop3A_117 = arith.addf %parallel_loop3A_105, %parallel_loop3A_116 : vector<16xf32>
        %parallel_loop3A_118 = arith.constant 3072 : i32
        %parallel_loop3A_119 = arith.addi %parallel_loop3A_118, %parallel_loop3A_85 : i32
        %parallel_loop3A_120 = arith.index_cast %parallel_loop3A_119 : i32 to index
        %parallel_loop3A_121 = tpu.vector_load %arg7[%parallel_loop3A_120] {strides = array<i32>} : memref<10240xi32, #tpu.memory_space<vmem>>, vector<16xi32>,
        %parallel_loop3A_122 = tpu.vector_load_idx %arg5[%parallel_loop3A_121] : memref<100000xf32, #tpu.memory_space<vmem>>[vector<16xi32>], vector<16xf32>,
        %parallel_loop3A_123 = arith.addf %parallel_loop3A_111, %parallel_loop3A_122 : vector<16xf32>
        %parallel_loop3A_124 = arith.constant 3584 : i32
        %parallel_loop3A_125 = arith.addi %parallel_loop3A_124, %parallel_loop3A_85 : i32
        %parallel_loop3A_126 = arith.index_cast %parallel_loop3A_125 : i32 to index
        %parallel_loop3A_127 = tpu.vector_load %arg7[%parallel_loop3A_126] {strides = array<i32>} : memref<10240xi32, #tpu.memory_space<vmem>>, vector<16xi32>,
        %parallel_loop3A_128 = tpu.vector_load_idx %arg5[%parallel_loop3A_127] : memref<100000xf32, #tpu.memory_space<vmem>>[vector<16xi32>], vector<16xf32>,
        %parallel_loop3A_129 = arith.addf %parallel_loop3A_117, %parallel_loop3A_128 : vector<16xf32>
        %parallel_loop3A_130 = arith.constant 4096 : i32
        %parallel_loop3A_131 = arith.addi %parallel_loop3A_130, %parallel_loop3A_85 : i32
        %parallel_loop3A_132 = arith.index_cast %parallel_loop3A_131 : i32 to index
        %parallel_loop3A_133 = tpu.vector_load %arg7[%parallel_loop3A_132] {strides = array<i32>} : memref<10240xi32, #tpu.memory_space<vmem>>, vector<16xi32>,
        %parallel_loop3A_134 = tpu.vector_load_idx %arg5[%parallel_loop3A_133] : memref<100000xf32, #tpu.memory_space<vmem>>[vector<16xi32>], vector<16xf32>,
        %parallel_loop3A_135 = arith.addf %parallel_loop3A_123, %parallel_loop3A_134 : vector<16xf32>
        %parallel_loop3A_136 = arith.constant 4608 : i32
        %parallel_loop3A_137 = arith.addi %parallel_loop3A_136, %parallel_loop3A_85 : i32
        %parallel_loop3A_138 = arith.index_cast %parallel_loop3A_137 : i32 to index
        %parallel_loop3A_139 = tpu.vector_load %arg7[%parallel_loop3A_138] {strides = array<i32>} : memref<10240xi32, #tpu.memory_space<vmem>>, vector<16xi32>,
        %parallel_loop3A_140 = tpu.vector_load_idx %arg5[%parallel_loop3A_139] : memref<100000xf32, #tpu.memory_space<vmem>>[vector<16xi32>], vector<16xf32>,
        %parallel_loop3A_141 = arith.addf %parallel_loop3A_129, %parallel_loop3A_140 : vector<16xf32>
        %parallel_loop3A_142 = arith.constant 5120 : i32
        %parallel_loop3A_143 = arith.addi %parallel_loop3A_142, %parallel_loop3A_85 : i32
        %parallel_loop3A_144 = arith.index_cast %parallel_loop3A_143 : i32 to index
        %parallel_loop3A_145 = tpu.vector_load %arg7[%parallel_loop3A_144] {strides = array<i32>} : memref<10240xi32, #tpu.memory_space<vmem>>, vector<16xi32>,
        %parallel_loop3A_146 = tpu.vector_load_idx %arg5[%parallel_loop3A_145] : memref<100000xf32, #tpu.memory_space<vmem>>[vector<16xi32>], vector<16xf32>,
        %parallel_loop3A_147 = arith.addf %parallel_loop3A_135, %parallel_loop3A_146 : vector<16xf32>
        %parallel_loop3A_148 = arith.constant 5632 : i32
        %parallel_loop3A_149 = arith.addi %parallel_loop3A_148, %parallel_loop3A_85 : i32
        %parallel_loop3A_150 = arith.index_cast %parallel_loop3A_149 : i32 to index
        %parallel_loop3A_151 = tpu.vector_load %arg7[%parallel_loop3A_150] {strides = array<i32>} : memref<10240xi32, #tpu.memory_space<vmem>>, vector<16xi32>,
        %parallel_loop3A_152 = tpu.vector_load_idx %arg5[%parallel_loop3A_151] : memref<100000xf32, #tpu.memory_space<vmem>>[vector<16xi32>], vector<16xf32>,
        %parallel_loop3A_153 = arith.addf %parallel_loop3A_141, %parallel_loop3A_152 : vector<16xf32>
        %parallel_loop3A_154 = arith.constant 6144 : i32
        %parallel_loop3A_155 = arith.addi %parallel_loop3A_154, %parallel_loop3A_85 : i32
        %parallel_loop3A_156 = arith.index_cast %parallel_loop3A_155 : i32 to index
        %parallel_loop3A_157 = tpu.vector_load %arg7[%parallel_loop3A_156] {strides = array<i32>} : memref<10240xi32, #tpu.memory_space<vmem>>, vector<16xi32>,
        %parallel_loop3A_158 = tpu.vector_load_idx %arg5[%parallel_loop3A_157] : memref<100000xf32, #tpu.memory_space<vmem>>[vector<16xi32>], vector<16xf32>,
        %parallel_loop3A_159 = arith.addf %parallel_loop3A_147, %parallel_loop3A_158 : vector<16xf32>
        %parallel_loop3A_160 = arith.constant 6656 : i32
        %parallel_loop3A_161 = arith.addi %parallel_loop3A_160, %parallel_loop3A_85 : i32
        %parallel_loop3A_162 = arith.index_cast %parallel_loop3A_161 : i32 to index
        %parallel_loop3A_163 = tpu.vector_load %arg7[%parallel_loop3A_162] {strides = array<i32>} : memref<10240xi32, #tpu.memory_space<vmem>>, vector<16xi32>,
        %parallel_loop3A_164 = tpu.vector_load_idx %arg5[%parallel_loop3A_163] : memref<100000xf32, #tpu.memory_space<vmem>>[vector<16xi32>], vector<16xf32>,
        %parallel_loop3A_165 = arith.addf %parallel_loop3A_153, %parallel_loop3A_164 : vector<16xf32>
        %parallel_loop3A_166 = arith.constant 7168 : i32
        %parallel_loop3A_167 = arith.addi %parallel_loop3A_166, %parallel_loop3A_85 : i32
        %parallel_loop3A_168 = arith.index_cast %parallel_loop3A_167 : i32 to index
        %parallel_loop3A_169 = tpu.vector_load %arg7[%parallel_loop3A_168] {strides = array<i32>} : memref<10240xi32, #tpu.memory_space<vmem>>, vector<16xi32>,
        %parallel_loop3A_170 = tpu.vector_load_idx %arg5[%parallel_loop3A_169] : memref<100000xf32, #tpu.memory_space<vmem>>[vector<16xi32>], vector<16xf32>,
        %parallel_loop3A_171 = arith.addf %parallel_loop3A_159, %parallel_loop3A_170 : vector<16xf32>
        %parallel_loop3A_172 = arith.constant 7680 : i32
        %parallel_loop3A_173 = arith.addi %parallel_loop3A_172, %parallel_loop3A_85 : i32
        %parallel_loop3A_174 = arith.index_cast %parallel_loop3A_173 : i32 to index
        %parallel_loop3A_175 = tpu.vector_load %arg7[%parallel_loop3A_174] {strides = array<i32>} : memref<10240xi32, #tpu.memory_space<vmem>>, vector<16xi32>,
        %parallel_loop3A_176 = tpu.vector_load_idx %arg5[%parallel_loop3A_175] : memref<100000xf32, #tpu.memory_space<vmem>>[vector<16xi32>], vector<16xf32>,
        %parallel_loop3A_177 = arith.addf %parallel_loop3A_165, %parallel_loop3A_176 : vector<16xf32>
        %parallel_loop3A_178 = arith.constant 8192 : i32
        %parallel_loop3A_179 = arith.addi %parallel_loop3A_178, %parallel_loop3A_85 : i32
        %parallel_loop3A_180 = arith.index_cast %parallel_loop3A_179 : i32 to index
        %parallel_loop3A_181 = tpu.vector_load %arg7[%parallel_loop3A_180] {strides = array<i32>} : memref<10240xi32, #tpu.memory_space<vmem>>, vector<16xi32>,
        %parallel_loop3A_182 = tpu.vector_load_idx %arg5[%parallel_loop3A_181] : memref<100000xf32, #tpu.memory_space<vmem>>[vector<16xi32>], vector<16xf32>,
        %parallel_loop3A_183 = arith.addf %parallel_loop3A_171, %parallel_loop3A_182 : vector<16xf32>
        %parallel_loop3A_184 = arith.constant 8704 : i32
        %parallel_loop3A_185 = arith.addi %parallel_loop3A_184, %parallel_loop3A_85 : i32
        %parallel_loop3A_186 = arith.index_cast %parallel_loop3A_185 : i32 to index
        %parallel_loop3A_187 = tpu.vector_load %arg7[%parallel_loop3A_186] {strides = array<i32>} : memref<10240xi32, #tpu.memory_space<vmem>>, vector<16xi32>,
        %parallel_loop3A_188 = tpu.vector_load_idx %arg5[%parallel_loop3A_187] : memref<100000xf32, #tpu.memory_space<vmem>>[vector<16xi32>], vector<16xf32>,
        %parallel_loop3A_189 = arith.addf %parallel_loop3A_177, %parallel_loop3A_188 : vector<16xf32>
        %parallel_loop3A_190 = arith.constant 9216 : i32
        %parallel_loop3A_191 = arith.addi %parallel_loop3A_190, %parallel_loop3A_85 : i32
        %parallel_loop3A_192 = arith.index_cast %parallel_loop3A_191 : i32 to index
        %parallel_loop3A_193 = tpu.vector_load %arg7[%parallel_loop3A_192] {strides = array<i32>} : memref<10240xi32, #tpu.memory_space<vmem>>, vector<16xi32>,
        %parallel_loop3A_194 = tpu.vector_load_idx %arg5[%parallel_loop3A_193] : memref<100000xf32, #tpu.memory_space<vmem>>[vector<16xi32>], vector<16xf32>,
        %parallel_loop3A_195 = arith.addf %parallel_loop3A_183, %parallel_loop3A_194 : vector<16xf32>
        %parallel_loop3A_196 = arith.constant 9728 : i32
        %parallel_loop3A_197 = arith.addi %parallel_loop3A_196, %parallel_loop3A_85 : i32
        %parallel_loop3A_198 = arith.index_cast %parallel_loop3A_197 : i32 to index
        %parallel_loop3A_199 = tpu.vector_load %arg7[%parallel_loop3A_198] {strides = array<i32>} : memref<10240xi32, #tpu.memory_space<vmem>>, vector<16xi32>,
        %parallel_loop3A_200 = tpu.vector_load_idx %arg5[%parallel_loop3A_199] : memref<100000xf32, #tpu.memory_space<vmem>>[vector<16xi32>], vector<16xf32>,
        %parallel_loop3A_201 = arith.addf %parallel_loop3A_189, %parallel_loop3A_200 : vector<16xf32>
        %parallel_loop3A_202 = arith.addf %parallel_loop3A_195, %parallel_loop3A_201 : vector<16xf32>
        %parallel_loop3A_203 = vector.broadcast %scan3A : f32 to vector<16xf32>
        %parallel_loop3A_204 = arith.mulf %parallel_loop3A_202, %parallel_loop3A_203 : vector<16xf32>
        %parallel_loop3A_205 = arith.constant 512 : i32
        %parallel_loop3A_206 = arith.muli %add3A_68, %parallel_loop3A_205 : i32
        %parallel_loop3A_207 = arith.addi %parallel_loop3A_206, %parallel_loop3A_85 : i32
        %parallel_loop3A_208 = arith.index_cast %parallel_loop3A_207 : i32 to index
        %parallel_loop3A_209 = tpu.vector_load %arg8[%parallel_loop3A_208] {strides = array<i32>} : memref<4096xf32, #tpu.memory_space<vmem>>, vector<16xf32>,
        tpu.vector_store %arg8[%parallel_loop3A_208], %parallel_loop3A_204 {strides = array<i32>} : memref<4096xf32, #tpu.memory_space<vmem>>, vector<16xf32>,
      } {sc.loop_unroll_factor = 1 : i64, sc.parallel_access}
    }
    %scan3A_23 = arith.constant 4 : i32
    "tpu.region"() ({
      %run_scoped3A = tpu.sem_alloc : memref<!tpu.dma_semaphore, #tpu.memory_space<semaphore_mem>>
      %dma_start3A_48 = arith.constant 0 : i32
      %dma_start3A_49 = tpu.memref_slice %arg4[%add3A_4, %dma_start3A_48] : memref<64x4096xf32, #tpu.memory_space<hbm>> -> memref<1x4096xf32, #tpu.memory_space<hbm>>
      %dma_start3A_50 = tpu.memref_squeeze %dma_start3A_49 : memref<1x4096xf32, #tpu.memory_space<hbm>> -> memref<4096xf32, #tpu.memory_space<hbm>>
      %dma_start3A_51 = arith.constant 0 : i32
      %dma_start3A_52 = tpu.memref_slice %arg4[%add3A_4, %dma_start3A_51] : memref<64x4096xf32, #tpu.memory_space<hbm>> -> memref<1x4096xf32, #tpu.memory_space<hbm>>
      %dma_start3A_53 = tpu.memref_squeeze %dma_start3A_52 : memref<1x4096xf32, #tpu.memory_space<hbm>> -> memref<4096xf32, #tpu.memory_space<hbm>>
      tpu.enqueue_dma source(%arg8 : memref<4096xf32, #tpu.memory_space<vmem>>) target(%dma_start3A_53 : memref<4096xf32, #tpu.memory_space<hbm>>) target_semaphore(%run_scoped3A : memref<!tpu.dma_semaphore, #tpu.memory_space<semaphore_mem>>)
      %dma_wait3A_54 = arith.constant 0 : i32
      %dma_wait3A_55 = tpu.memref_slice %arg4[%add3A_4, %dma_wait3A_54] : memref<64x4096xf32, #tpu.memory_space<hbm>> -> memref<1x4096xf32, #tpu.memory_space<hbm>>
      %dma_wait3A_56 = tpu.memref_squeeze %dma_wait3A_55 : memref<1x4096xf32, #tpu.memory_space<hbm>> -> memref<4096xf32, #tpu.memory_space<hbm>>
      %dma_wait3A_57 = arith.constant 0 : i32
      %dma_wait3A_58 = tpu.memref_slice %arg4[%add3A_4, %dma_wait3A_57] : memref<64x4096xf32, #tpu.memory_space<hbm>> -> memref<1x4096xf32, #tpu.memory_space<hbm>>
      %dma_wait3A_59 = tpu.memref_squeeze %dma_wait3A_58 : memref<1x4096xf32, #tpu.memory_space<hbm>> -> memref<4096xf32, #tpu.memory_space<hbm>>
      tpu.wait_dma2 semaphore(%run_scoped3A : memref<!tpu.dma_semaphore, #tpu.memory_space<semaphore_mem>>) src(%arg8 : memref<4096xf32, #tpu.memory_space<vmem>>) dst(%dma_wait3A_59 : memref<4096xf32, #tpu.memory_space<hbm>>)
      tpu.yield
    }) : () -> ()
    %add3A_24 = arith.constant 32 : i32
    %add3A_25 = arith.addi %add3A, %add3A_24 : i32
    %dma_start3A_26 = arith.constant 0 : i32
    %dma_start3A_27 = tpu.memref_slice %arg3[%add3A_25, %dma_start3A_26] : memref<64x100000xf32, #tpu.memory_space<hbm>> -> memref<1x100000xf32, #tpu.memory_space<hbm>>
    %dma_start3A_28 = tpu.memref_squeeze %dma_start3A_27 : memref<1x100000xf32, #tpu.memory_space<hbm>> -> memref<100000xf32, #tpu.memory_space<hbm>>
    %dma_start3A_29 = arith.constant 0 : i32
    %dma_start3A_30 = tpu.memref_slice %arg3[%add3A_25, %dma_start3A_29] : memref<64x100000xf32, #tpu.memory_space<hbm>> -> memref<1x100000xf32, #tpu.memory_space<hbm>>
    %dma_start3A_31 = tpu.memref_squeeze %dma_start3A_30 : memref<1x100000xf32, #tpu.memory_space<hbm>> -> memref<100000xf32, #tpu.memory_space<hbm>>
    tpu.enqueue_dma source(%dma_start3A_31 : memref<100000xf32, #tpu.memory_space<hbm>>) target(%arg5 : memref<100000xf32, #tpu.memory_space<vmem>>) target_semaphore(%arg10 : memref<!tpu.dma_semaphore, #tpu.memory_space<semaphore_mem>>)
    %dma_start3A_32 = arith.constant 0 : i32
    %dma_start3A_33 = tpu.memref_slice %arg9[%dma_start3A_32] : memref<81920xi32, #tpu.memory_space<vmem_shared>> -> memref<10240xi32, #tpu.memory_space<vmem_shared>>
    %dma_start3A_34 = arith.constant 0 : i32
    %dma_start3A_35 = tpu.memref_slice %arg9[%dma_start3A_34] : memref<81920xi32, #tpu.memory_space<vmem_shared>> -> memref<10240xi32, #tpu.memory_space<vmem_shared>>
    tpu.enqueue_dma source(%dma_start3A_35 : memref<10240xi32, #tpu.memory_space<vmem_shared>>) target(%arg6 : memref<10240xi32, #tpu.memory_space<vmem>>) target_semaphore(%arg11 : memref<!tpu.dma_semaphore, #tpu.memory_space<semaphore_mem>>)
    %dma_wait3A_36 = arith.constant 0 : i32
    %dma_wait3A_37 = tpu.memref_slice %arg3[%add3A_25, %dma_wait3A_36] : memref<64x100000xf32, #tpu.memory_space<hbm>> -> memref<1x100000xf32, #tpu.memory_space<hbm>>
    %dma_wait3A_38 = tpu.memref_squeeze %dma_wait3A_37 : memref<1x100000xf32, #tpu.memory_space<hbm>> -> memref<100000xf32, #tpu.memory_space<hbm>>
    %dma_wait3A_39 = arith.constant 0 : i32
    %dma_wait3A_40 = tpu.memref_slice %arg3[%add3A_25, %dma_wait3A_39] : memref<64x100000xf32, #tpu.memory_space<hbm>> -> memref<1x100000xf32, #tpu.memory_space<hbm>>
    %dma_wait3A_41 = tpu.memref_squeeze %dma_wait3A_40 : memref<1x100000xf32, #tpu.memory_space<hbm>> -> memref<100000xf32, #tpu.memory_space<hbm>>
    tpu.wait_dma2 semaphore(%arg10 : memref<!tpu.dma_semaphore, #tpu.memory_space<semaphore_mem>>) src(%dma_wait3A_41 : memref<100000xf32, #tpu.memory_space<hbm>>) dst(%arg5 : memref<100000xf32, #tpu.memory_space<vmem>>)
    %scan3A_42 = arith.constant 5.000000e-02 : f32
    %scan3A_43 = arith.constant 0 : i32
    %scan3A_44 = arith.constant 4 : i32
    %scan3A_45 = arith.addi %scan3A_43, %scan3A_44 : i32
    %scan3A_46 = arith.constant 1 : i32
    scf.for %scan3A_48 = %scan3A_43 to %scan3A_45 step %scan3A_46  : i32 {
      %mul3A_49 = arith.constant 2 : i32
      %mul3A_50 = arith.muli %scan3A_48, %mul3A_49 : i32
      %add3A_51 = arith.constant 0 : i32
      %add3A_52 = arith.addi %add3A_51, %mul3A_50 : i32
      %add3A_53 = arith.constant 0 : i32
      %add3A_54 = arith.addi %add3A_52, %add3A_53 : i32
      %mul3A_55 = arith.constant 10240 : i32
      %mul3A_56 = arith.muli %add3A_54, %mul3A_55 : i32
      %dma_wait3A_57 = tpu.memref_slice %arg9[%mul3A_56] : memref<81920xi32, #tpu.memory_space<vmem_shared>> -> memref<10240xi32, #tpu.memory_space<vmem_shared>>
      %dma_wait3A_58 = tpu.memref_slice %arg9[%mul3A_56] : memref<81920xi32, #tpu.memory_space<vmem_shared>> -> memref<10240xi32, #tpu.memory_space<vmem_shared>>
      tpu.wait_dma2 semaphore(%arg11 : memref<!tpu.dma_semaphore, #tpu.memory_space<semaphore_mem>>) src(%dma_wait3A_58 : memref<10240xi32, #tpu.memory_space<vmem_shared>>) dst(%arg6 : memref<10240xi32, #tpu.memory_space<vmem>>)
      %add3A_59 = arith.constant 1 : i32
      %add3A_60 = arith.addi %add3A_54, %add3A_59 : i32
      %lt3A = arith.constant 8 : i32
      %lt3A_61 = arith.cmpi slt, %add3A_60, %lt3A : i32
      %convert_element_type3A_62 = arith.extui %lt3A_61 : i1 to i32
      %cond3A_63 = arith.constant 0 : i32
      %cond3A_64 = arith.cmpi ne, %convert_element_type3A_62, %cond3A_63 : i32
      scf.if %cond3A_64 {
        %add3A_83 = arith.constant 1 : i32
        %add3A_84 = arith.addi %add3A_54, %add3A_83 : i32
        %mul3A_85 = arith.constant 10240 : i32
        %mul3A_86 = arith.muli %add3A_84, %mul3A_85 : i32
        %dma_start3A_87 = tpu.memref_slice %arg9[%mul3A_86] : memref<81920xi32, #tpu.memory_space<vmem_shared>> -> memref<10240xi32, #tpu.memory_space<vmem_shared>>
        %dma_start3A_88 = tpu.memref_slice %arg9[%mul3A_86] : memref<81920xi32, #tpu.memory_space<vmem_shared>> -> memref<10240xi32, #tpu.memory_space<vmem_shared>>
        tpu.enqueue_dma source(%dma_start3A_88 : memref<10240xi32, #tpu.memory_space<vmem_shared>>) target(%arg7 : memref<10240xi32, #tpu.memory_space<vmem>>) target_semaphore(%arg12 : memref<!tpu.dma_semaphore, #tpu.memory_space<semaphore_mem>>)
      } else {
      }
      %parallel_loop3A = arith.constant 0 : i32
      %parallel_loop3A_65 = arith.constant 32 : i32
      %parallel_loop3A_66 = arith.constant 1 : i32
      scf.for %parallel_loop3A_83 = %parallel_loop3A to %parallel_loop3A_65 step %parallel_loop3A_66  : i32 {
        %parallel_loop3A_84 = arith.constant 16 : i32
        %parallel_loop3A_85 = arith.muli %parallel_loop3A_83, %parallel_loop3A_84 : i32
        %parallel_loop3A_86 = arith.index_cast %parallel_loop3A_85 : i32 to index
        %parallel_loop3A_87 = tpu.vector_load %arg6[%parallel_loop3A_86] {strides = array<i32>} : memref<10240xi32, #tpu.memory_space<vmem>>, vector<16xi32>,
        %parallel_loop3A_88 = tpu.vector_load_idx %arg5[%parallel_loop3A_87] : memref<100000xf32, #tpu.memory_space<vmem>>[vector<16xi32>], vector<16xf32>,
        %parallel_loop3A_89 = arith.constant 512 : i32
        %parallel_loop3A_90 = arith.addi %parallel_loop3A_89, %parallel_loop3A_85 : i32
        %parallel_loop3A_91 = arith.index_cast %parallel_loop3A_90 : i32 to index
        %parallel_loop3A_92 = tpu.vector_load %arg6[%parallel_loop3A_91] {strides = array<i32>} : memref<10240xi32, #tpu.memory_space<vmem>>, vector<16xi32>,
        %parallel_loop3A_93 = tpu.vector_load_idx %arg5[%parallel_loop3A_92] : memref<100000xf32, #tpu.memory_space<vmem>>[vector<16xi32>], vector<16xf32>,
        %parallel_loop3A_94 = arith.constant 1024 : i32
        %parallel_loop3A_95 = arith.addi %parallel_loop3A_94, %parallel_loop3A_85 : i32
        %parallel_loop3A_96 = arith.index_cast %parallel_loop3A_95 : i32 to index
        %parallel_loop3A_97 = tpu.vector_load %arg6[%parallel_loop3A_96] {strides = array<i32>} : memref<10240xi32, #tpu.memory_space<vmem>>, vector<16xi32>,
        %parallel_loop3A_98 = tpu.vector_load_idx %arg5[%parallel_loop3A_97] : memref<100000xf32, #tpu.memory_space<vmem>>[vector<16xi32>], vector<16xf32>,
        %parallel_loop3A_99 = arith.addf %parallel_loop3A_88, %parallel_loop3A_98 : vector<16xf32>
        %parallel_loop3A_100 = arith.constant 1536 : i32
        %parallel_loop3A_101 = arith.addi %parallel_loop3A_100, %parallel_loop3A_85 : i32
        %parallel_loop3A_102 = arith.index_cast %parallel_loop3A_101 : i32 to index
        %parallel_loop3A_103 = tpu.vector_load %arg6[%parallel_loop3A_102] {strides = array<i32>} : memref<10240xi32, #tpu.memory_space<vmem>>, vector<16xi32>,
        %parallel_loop3A_104 = tpu.vector_load_idx %arg5[%parallel_loop3A_103] : memref<100000xf32, #tpu.memory_space<vmem>>[vector<16xi32>], vector<16xf32>,
        %parallel_loop3A_105 = arith.addf %parallel_loop3A_93, %parallel_loop3A_104 : vector<16xf32>
        %parallel_loop3A_106 = arith.constant 2048 : i32
        %parallel_loop3A_107 = arith.addi %parallel_loop3A_106, %parallel_loop3A_85 : i32
        %parallel_loop3A_108 = arith.index_cast %parallel_loop3A_107 : i32 to index
        %parallel_loop3A_109 = tpu.vector_load %arg6[%parallel_loop3A_108] {strides = array<i32>} : memref<10240xi32, #tpu.memory_space<vmem>>, vector<16xi32>,
        %parallel_loop3A_110 = tpu.vector_load_idx %arg5[%parallel_loop3A_109] : memref<100000xf32, #tpu.memory_space<vmem>>[vector<16xi32>], vector<16xf32>,
        %parallel_loop3A_111 = arith.addf %parallel_loop3A_99, %parallel_loop3A_110 : vector<16xf32>
        %parallel_loop3A_112 = arith.constant 2560 : i32
        %parallel_loop3A_113 = arith.addi %parallel_loop3A_112, %parallel_loop3A_85 : i32
        %parallel_loop3A_114 = arith.index_cast %parallel_loop3A_113 : i32 to index
        %parallel_loop3A_115 = tpu.vector_load %arg6[%parallel_loop3A_114] {strides = array<i32>} : memref<10240xi32, #tpu.memory_space<vmem>>, vector<16xi32>,
        %parallel_loop3A_116 = tpu.vector_load_idx %arg5[%parallel_loop3A_115] : memref<100000xf32, #tpu.memory_space<vmem>>[vector<16xi32>], vector<16xf32>,
        %parallel_loop3A_117 = arith.addf %parallel_loop3A_105, %parallel_loop3A_116 : vector<16xf32>
        %parallel_loop3A_118 = arith.constant 3072 : i32
        %parallel_loop3A_119 = arith.addi %parallel_loop3A_118, %parallel_loop3A_85 : i32
        %parallel_loop3A_120 = arith.index_cast %parallel_loop3A_119 : i32 to index
        %parallel_loop3A_121 = tpu.vector_load %arg6[%parallel_loop3A_120] {strides = array<i32>} : memref<10240xi32, #tpu.memory_space<vmem>>, vector<16xi32>,
        %parallel_loop3A_122 = tpu.vector_load_idx %arg5[%parallel_loop3A_121] : memref<100000xf32, #tpu.memory_space<vmem>>[vector<16xi32>], vector<16xf32>,
        %parallel_loop3A_123 = arith.addf %parallel_loop3A_111, %parallel_loop3A_122 : vector<16xf32>
        %parallel_loop3A_124 = arith.constant 3584 : i32
        %parallel_loop3A_125 = arith.addi %parallel_loop3A_124, %parallel_loop3A_85 : i32
        %parallel_loop3A_126 = arith.index_cast %parallel_loop3A_125 : i32 to index
        %parallel_loop3A_127 = tpu.vector_load %arg6[%parallel_loop3A_126] {strides = array<i32>} : memref<10240xi32, #tpu.memory_space<vmem>>, vector<16xi32>,
        %parallel_loop3A_128 = tpu.vector_load_idx %arg5[%parallel_loop3A_127] : memref<100000xf32, #tpu.memory_space<vmem>>[vector<16xi32>], vector<16xf32>,
        %parallel_loop3A_129 = arith.addf %parallel_loop3A_117, %parallel_loop3A_128 : vector<16xf32>
        %parallel_loop3A_130 = arith.constant 4096 : i32
        %parallel_loop3A_131 = arith.addi %parallel_loop3A_130, %parallel_loop3A_85 : i32
        %parallel_loop3A_132 = arith.index_cast %parallel_loop3A_131 : i32 to index
        %parallel_loop3A_133 = tpu.vector_load %arg6[%parallel_loop3A_132] {strides = array<i32>} : memref<10240xi32, #tpu.memory_space<vmem>>, vector<16xi32>,
        %parallel_loop3A_134 = tpu.vector_load_idx %arg5[%parallel_loop3A_133] : memref<100000xf32, #tpu.memory_space<vmem>>[vector<16xi32>], vector<16xf32>,
        %parallel_loop3A_135 = arith.addf %parallel_loop3A_123, %parallel_loop3A_134 : vector<16xf32>
        %parallel_loop3A_136 = arith.constant 4608 : i32
        %parallel_loop3A_137 = arith.addi %parallel_loop3A_136, %parallel_loop3A_85 : i32
        %parallel_loop3A_138 = arith.index_cast %parallel_loop3A_137 : i32 to index
        %parallel_loop3A_139 = tpu.vector_load %arg6[%parallel_loop3A_138] {strides = array<i32>} : memref<10240xi32, #tpu.memory_space<vmem>>, vector<16xi32>,
        %parallel_loop3A_140 = tpu.vector_load_idx %arg5[%parallel_loop3A_139] : memref<100000xf32, #tpu.memory_space<vmem>>[vector<16xi32>], vector<16xf32>,
        %parallel_loop3A_141 = arith.addf %parallel_loop3A_129, %parallel_loop3A_140 : vector<16xf32>
        %parallel_loop3A_142 = arith.constant 5120 : i32
        %parallel_loop3A_143 = arith.addi %parallel_loop3A_142, %parallel_loop3A_85 : i32
        %parallel_loop3A_144 = arith.index_cast %parallel_loop3A_143 : i32 to index
        %parallel_loop3A_145 = tpu.vector_load %arg6[%parallel_loop3A_144] {strides = array<i32>} : memref<10240xi32, #tpu.memory_space<vmem>>, vector<16xi32>,
        %parallel_loop3A_146 = tpu.vector_load_idx %arg5[%parallel_loop3A_145] : memref<100000xf32, #tpu.memory_space<vmem>>[vector<16xi32>], vector<16xf32>,
        %parallel_loop3A_147 = arith.addf %parallel_loop3A_135, %parallel_loop3A_146 : vector<16xf32>
        %parallel_loop3A_148 = arith.constant 5632 : i32
        %parallel_loop3A_149 = arith.addi %parallel_loop3A_148, %parallel_loop3A_85 : i32
        %parallel_loop3A_150 = arith.index_cast %parallel_loop3A_149 : i32 to index
        %parallel_loop3A_151 = tpu.vector_load %arg6[%parallel_loop3A_150] {strides = array<i32>} : memref<10240xi32, #tpu.memory_space<vmem>>, vector<16xi32>,
        %parallel_loop3A_152 = tpu.vector_load_idx %arg5[%parallel_loop3A_151] : memref<100000xf32, #tpu.memory_space<vmem>>[vector<16xi32>], vector<16xf32>,
        %parallel_loop3A_153 = arith.addf %parallel_loop3A_141, %parallel_loop3A_152 : vector<16xf32>
        %parallel_loop3A_154 = arith.constant 6144 : i32
        %parallel_loop3A_155 = arith.addi %parallel_loop3A_154, %parallel_loop3A_85 : i32
        %parallel_loop3A_156 = arith.index_cast %parallel_loop3A_155 : i32 to index
        %parallel_loop3A_157 = tpu.vector_load %arg6[%parallel_loop3A_156] {strides = array<i32>} : memref<10240xi32, #tpu.memory_space<vmem>>, vector<16xi32>,
        %parallel_loop3A_158 = tpu.vector_load_idx %arg5[%parallel_loop3A_157] : memref<100000xf32, #tpu.memory_space<vmem>>[vector<16xi32>], vector<16xf32>,
        %parallel_loop3A_159 = arith.addf %parallel_loop3A_147, %parallel_loop3A_158 : vector<16xf32>
        %parallel_loop3A_160 = arith.constant 6656 : i32
        %parallel_loop3A_161 = arith.addi %parallel_loop3A_160, %parallel_loop3A_85 : i32
        %parallel_loop3A_162 = arith.index_cast %parallel_loop3A_161 : i32 to index
        %parallel_loop3A_163 = tpu.vector_load %arg6[%parallel_loop3A_162] {strides = array<i32>} : memref<10240xi32, #tpu.memory_space<vmem>>, vector<16xi32>,
        %parallel_loop3A_164 = tpu.vector_load_idx %arg5[%parallel_loop3A_163] : memref<100000xf32, #tpu.memory_space<vmem>>[vector<16xi32>], vector<16xf32>,
        %parallel_loop3A_165 = arith.addf %parallel_loop3A_153, %parallel_loop3A_164 : vector<16xf32>
        %parallel_loop3A_166 = arith.constant 7168 : i32
        %parallel_loop3A_167 = arith.addi %parallel_loop3A_166, %parallel_loop3A_85 : i32
        %parallel_loop3A_168 = arith.index_cast %parallel_loop3A_167 : i32 to index
        %parallel_loop3A_169 = tpu.vector_load %arg6[%parallel_loop3A_168] {strides = array<i32>} : memref<10240xi32, #tpu.memory_space<vmem>>, vector<16xi32>,
        %parallel_loop3A_170 = tpu.vector_load_idx %arg5[%parallel_loop3A_169] : memref<100000xf32, #tpu.memory_space<vmem>>[vector<16xi32>], vector<16xf32>,
        %parallel_loop3A_171 = arith.addf %parallel_loop3A_159, %parallel_loop3A_170 : vector<16xf32>
        %parallel_loop3A_172 = arith.constant 7680 : i32
        %parallel_loop3A_173 = arith.addi %parallel_loop3A_172, %parallel_loop3A_85 : i32
        %parallel_loop3A_174 = arith.index_cast %parallel_loop3A_173 : i32 to index
        %parallel_loop3A_175 = tpu.vector_load %arg6[%parallel_loop3A_174] {strides = array<i32>} : memref<10240xi32, #tpu.memory_space<vmem>>, vector<16xi32>,
        %parallel_loop3A_176 = tpu.vector_load_idx %arg5[%parallel_loop3A_175] : memref<100000xf32, #tpu.memory_space<vmem>>[vector<16xi32>], vector<16xf32>,
        %parallel_loop3A_177 = arith.addf %parallel_loop3A_165, %parallel_loop3A_176 : vector<16xf32>
        %parallel_loop3A_178 = arith.constant 8192 : i32
        %parallel_loop3A_179 = arith.addi %parallel_loop3A_178, %parallel_loop3A_85 : i32
        %parallel_loop3A_180 = arith.index_cast %parallel_loop3A_179 : i32 to index
        %parallel_loop3A_181 = tpu.vector_load %arg6[%parallel_loop3A_180] {strides = array<i32>} : memref<10240xi32, #tpu.memory_space<vmem>>, vector<16xi32>,
        %parallel_loop3A_182 = tpu.vector_load_idx %arg5[%parallel_loop3A_181] : memref<100000xf32, #tpu.memory_space<vmem>>[vector<16xi32>], vector<16xf32>,
        %parallel_loop3A_183 = arith.addf %parallel_loop3A_171, %parallel_loop3A_182 : vector<16xf32>
        %parallel_loop3A_184 = arith.constant 8704 : i32
        %parallel_loop3A_185 = arith.addi %parallel_loop3A_184, %parallel_loop3A_85 : i32
        %parallel_loop3A_186 = arith.index_cast %parallel_loop3A_185 : i32 to index
        %parallel_loop3A_187 = tpu.vector_load %arg6[%parallel_loop3A_186] {strides = array<i32>} : memref<10240xi32, #tpu.memory_space<vmem>>, vector<16xi32>,
        %parallel_loop3A_188 = tpu.vector_load_idx %arg5[%parallel_loop3A_187] : memref<100000xf32, #tpu.memory_space<vmem>>[vector<16xi32>], vector<16xf32>,
        %parallel_loop3A_189 = arith.addf %parallel_loop3A_177, %parallel_loop3A_188 : vector<16xf32>
        %parallel_loop3A_190 = arith.constant 9216 : i32
        %parallel_loop3A_191 = arith.addi %parallel_loop3A_190, %parallel_loop3A_85 : i32
        %parallel_loop3A_192 = arith.index_cast %parallel_loop3A_191 : i32 to index
        %parallel_loop3A_193 = tpu.vector_load %arg6[%parallel_loop3A_192] {strides = array<i32>} : memref<10240xi32, #tpu.memory_space<vmem>>, vector<16xi32>,
        %parallel_loop3A_194 = tpu.vector_load_idx %arg5[%parallel_loop3A_193] : memref<100000xf32, #tpu.memory_space<vmem>>[vector<16xi32>], vector<16xf32>,
        %parallel_loop3A_195 = arith.addf %parallel_loop3A_183, %parallel_loop3A_194 : vector<16xf32>
        %parallel_loop3A_196 = arith.constant 9728 : i32
        %parallel_loop3A_197 = arith.addi %parallel_loop3A_196, %parallel_loop3A_85 : i32
        %parallel_loop3A_198 = arith.index_cast %parallel_loop3A_197 : i32 to index
        %parallel_loop3A_199 = tpu.vector_load %arg6[%parallel_loop3A_198] {strides = array<i32>} : memref<10240xi32, #tpu.memory_space<vmem>>, vector<16xi32>,
        %parallel_loop3A_200 = tpu.vector_load_idx %arg5[%parallel_loop3A_199] : memref<100000xf32, #tpu.memory_space<vmem>>[vector<16xi32>], vector<16xf32>,
        %parallel_loop3A_201 = arith.addf %parallel_loop3A_189, %parallel_loop3A_200 : vector<16xf32>
        %parallel_loop3A_202 = arith.addf %parallel_loop3A_195, %parallel_loop3A_201 : vector<16xf32>
        %parallel_loop3A_203 = vector.broadcast %scan3A_42 : f32 to vector<16xf32>
        %parallel_loop3A_204 = arith.mulf %parallel_loop3A_202, %parallel_loop3A_203 : vector<16xf32>
        %parallel_loop3A_205 = arith.constant 512 : i32
        %parallel_loop3A_206 = arith.muli %add3A_54, %parallel_loop3A_205 : i32
        %parallel_loop3A_207 = arith.addi %parallel_loop3A_206, %parallel_loop3A_85 : i32
        %parallel_loop3A_208 = arith.index_cast %parallel_loop3A_207 : i32 to index
        %parallel_loop3A_209 = tpu.vector_load %arg8[%parallel_loop3A_208] {strides = array<i32>} : memref<4096xf32, #tpu.memory_space<vmem>>, vector<16xf32>,
        tpu.vector_store %arg8[%parallel_loop3A_208], %parallel_loop3A_204 {strides = array<i32>} : memref<4096xf32, #tpu.memory_space<vmem>>, vector<16xf32>,
      } {sc.loop_unroll_factor = 1 : i64, sc.parallel_access}
      %add3A_67 = arith.constant 1 : i32
      %add3A_68 = arith.addi %add3A_52, %add3A_67 : i32
      %mul3A_69 = arith.constant 10240 : i32
      %mul3A_70 = arith.muli %add3A_68, %mul3A_69 : i32
      %dma_wait3A_71 = tpu.memref_slice %arg9[%mul3A_70] : memref<81920xi32, #tpu.memory_space<vmem_shared>> -> memref<10240xi32, #tpu.memory_space<vmem_shared>>
      %dma_wait3A_72 = tpu.memref_slice %arg9[%mul3A_70] : memref<81920xi32, #tpu.memory_space<vmem_shared>> -> memref<10240xi32, #tpu.memory_space<vmem_shared>>
      tpu.wait_dma2 semaphore(%arg12 : memref<!tpu.dma_semaphore, #tpu.memory_space<semaphore_mem>>) src(%dma_wait3A_72 : memref<10240xi32, #tpu.memory_space<vmem_shared>>) dst(%arg7 : memref<10240xi32, #tpu.memory_space<vmem>>)
      %add3A_73 = arith.constant 1 : i32
      %add3A_74 = arith.addi %add3A_68, %add3A_73 : i32
      %lt3A_75 = arith.constant 8 : i32
      %lt3A_76 = arith.cmpi slt, %add3A_74, %lt3A_75 : i32
      %convert_element_type3A_77 = arith.extui %lt3A_76 : i1 to i32
      %cond3A_78 = arith.constant 0 : i32
      %cond3A_79 = arith.cmpi ne, %convert_element_type3A_77, %cond3A_78 : i32
      scf.if %cond3A_79 {
        %add3A_83 = arith.constant 1 : i32
        %add3A_84 = arith.addi %add3A_68, %add3A_83 : i32
        %mul3A_85 = arith.constant 10240 : i32
        %mul3A_86 = arith.muli %add3A_84, %mul3A_85 : i32
        %dma_start3A_87 = tpu.memref_slice %arg9[%mul3A_86] : memref<81920xi32, #tpu.memory_space<vmem_shared>> -> memref<10240xi32, #tpu.memory_space<vmem_shared>>
        %dma_start3A_88 = tpu.memref_slice %arg9[%mul3A_86] : memref<81920xi32, #tpu.memory_space<vmem_shared>> -> memref<10240xi32, #tpu.memory_space<vmem_shared>>
        tpu.enqueue_dma source(%dma_start3A_88 : memref<10240xi32, #tpu.memory_space<vmem_shared>>) target(%arg6 : memref<10240xi32, #tpu.memory_space<vmem>>) target_semaphore(%arg11 : memref<!tpu.dma_semaphore, #tpu.memory_space<semaphore_mem>>)
      } else {
      }
      %parallel_loop3A_80 = arith.constant 0 : i32
      %parallel_loop3A_81 = arith.constant 32 : i32
      %parallel_loop3A_82 = arith.constant 1 : i32
      scf.for %parallel_loop3A_83 = %parallel_loop3A_80 to %parallel_loop3A_81 step %parallel_loop3A_82  : i32 {
        %parallel_loop3A_84 = arith.constant 16 : i32
        %parallel_loop3A_85 = arith.muli %parallel_loop3A_83, %parallel_loop3A_84 : i32
        %parallel_loop3A_86 = arith.index_cast %parallel_loop3A_85 : i32 to index
        %parallel_loop3A_87 = tpu.vector_load %arg7[%parallel_loop3A_86] {strides = array<i32>} : memref<10240xi32, #tpu.memory_space<vmem>>, vector<16xi32>,
        %parallel_loop3A_88 = tpu.vector_load_idx %arg5[%parallel_loop3A_87] : memref<100000xf32, #tpu.memory_space<vmem>>[vector<16xi32>], vector<16xf32>,
        %parallel_loop3A_89 = arith.constant 512 : i32
        %parallel_loop3A_90 = arith.addi %parallel_loop3A_89, %parallel_loop3A_85 : i32
        %parallel_loop3A_91 = arith.index_cast %parallel_loop3A_90 : i32 to index
        %parallel_loop3A_92 = tpu.vector_load %arg7[%parallel_loop3A_91] {strides = array<i32>} : memref<10240xi32, #tpu.memory_space<vmem>>, vector<16xi32>,
        %parallel_loop3A_93 = tpu.vector_load_idx %arg5[%parallel_loop3A_92] : memref<100000xf32, #tpu.memory_space<vmem>>[vector<16xi32>], vector<16xf32>,
        %parallel_loop3A_94 = arith.constant 1024 : i32
        %parallel_loop3A_95 = arith.addi %parallel_loop3A_94, %parallel_loop3A_85 : i32
        %parallel_loop3A_96 = arith.index_cast %parallel_loop3A_95 : i32 to index
        %parallel_loop3A_97 = tpu.vector_load %arg7[%parallel_loop3A_96] {strides = array<i32>} : memref<10240xi32, #tpu.memory_space<vmem>>, vector<16xi32>,
        %parallel_loop3A_98 = tpu.vector_load_idx %arg5[%parallel_loop3A_97] : memref<100000xf32, #tpu.memory_space<vmem>>[vector<16xi32>], vector<16xf32>,
        %parallel_loop3A_99 = arith.addf %parallel_loop3A_88, %parallel_loop3A_98 : vector<16xf32>
        %parallel_loop3A_100 = arith.constant 1536 : i32
        %parallel_loop3A_101 = arith.addi %parallel_loop3A_100, %parallel_loop3A_85 : i32
        %parallel_loop3A_102 = arith.index_cast %parallel_loop3A_101 : i32 to index
        %parallel_loop3A_103 = tpu.vector_load %arg7[%parallel_loop3A_102] {strides = array<i32>} : memref<10240xi32, #tpu.memory_space<vmem>>, vector<16xi32>,
        %parallel_loop3A_104 = tpu.vector_load_idx %arg5[%parallel_loop3A_103] : memref<100000xf32, #tpu.memory_space<vmem>>[vector<16xi32>], vector<16xf32>,
        %parallel_loop3A_105 = arith.addf %parallel_loop3A_93, %parallel_loop3A_104 : vector<16xf32>
        %parallel_loop3A_106 = arith.constant 2048 : i32
        %parallel_loop3A_107 = arith.addi %parallel_loop3A_106, %parallel_loop3A_85 : i32
        %parallel_loop3A_108 = arith.index_cast %parallel_loop3A_107 : i32 to index
        %parallel_loop3A_109 = tpu.vector_load %arg7[%parallel_loop3A_108] {strides = array<i32>} : memref<10240xi32, #tpu.memory_space<vmem>>, vector<16xi32>,
        %parallel_loop3A_110 = tpu.vector_load_idx %arg5[%parallel_loop3A_109] : memref<100000xf32, #tpu.memory_space<vmem>>[vector<16xi32>], vector<16xf32>,
        %parallel_loop3A_111 = arith.addf %parallel_loop3A_99, %parallel_loop3A_110 : vector<16xf32>
        %parallel_loop3A_112 = arith.constant 2560 : i32
        %parallel_loop3A_113 = arith.addi %parallel_loop3A_112, %parallel_loop3A_85 : i32
        %parallel_loop3A_114 = arith.index_cast %parallel_loop3A_113 : i32 to index
        %parallel_loop3A_115 = tpu.vector_load %arg7[%parallel_loop3A_114] {strides = array<i32>} : memref<10240xi32, #tpu.memory_space<vmem>>, vector<16xi32>,
        %parallel_loop3A_116 = tpu.vector_load_idx %arg5[%parallel_loop3A_115] : memref<100000xf32, #tpu.memory_space<vmem>>[vector<16xi32>], vector<16xf32>,
        %parallel_loop3A_117 = arith.addf %parallel_loop3A_105, %parallel_loop3A_116 : vector<16xf32>
        %parallel_loop3A_118 = arith.constant 3072 : i32
        %parallel_loop3A_119 = arith.addi %parallel_loop3A_118, %parallel_loop3A_85 : i32
        %parallel_loop3A_120 = arith.index_cast %parallel_loop3A_119 : i32 to index
        %parallel_loop3A_121 = tpu.vector_load %arg7[%parallel_loop3A_120] {strides = array<i32>} : memref<10240xi32, #tpu.memory_space<vmem>>, vector<16xi32>,
        %parallel_loop3A_122 = tpu.vector_load_idx %arg5[%parallel_loop3A_121] : memref<100000xf32, #tpu.memory_space<vmem>>[vector<16xi32>], vector<16xf32>,
        %parallel_loop3A_123 = arith.addf %parallel_loop3A_111, %parallel_loop3A_122 : vector<16xf32>
        %parallel_loop3A_124 = arith.constant 3584 : i32
        %parallel_loop3A_125 = arith.addi %parallel_loop3A_124, %parallel_loop3A_85 : i32
        %parallel_loop3A_126 = arith.index_cast %parallel_loop3A_125 : i32 to index
        %parallel_loop3A_127 = tpu.vector_load %arg7[%parallel_loop3A_126] {strides = array<i32>} : memref<10240xi32, #tpu.memory_space<vmem>>, vector<16xi32>,
        %parallel_loop3A_128 = tpu.vector_load_idx %arg5[%parallel_loop3A_127] : memref<100000xf32, #tpu.memory_space<vmem>>[vector<16xi32>], vector<16xf32>,
        %parallel_loop3A_129 = arith.addf %parallel_loop3A_117, %parallel_loop3A_128 : vector<16xf32>
        %parallel_loop3A_130 = arith.constant 4096 : i32
        %parallel_loop3A_131 = arith.addi %parallel_loop3A_130, %parallel_loop3A_85 : i32
        %parallel_loop3A_132 = arith.index_cast %parallel_loop3A_131 : i32 to index
        %parallel_loop3A_133 = tpu.vector_load %arg7[%parallel_loop3A_132] {strides = array<i32>} : memref<10240xi32, #tpu.memory_space<vmem>>, vector<16xi32>,
        %parallel_loop3A_134 = tpu.vector_load_idx %arg5[%parallel_loop3A_133] : memref<100000xf32, #tpu.memory_space<vmem>>[vector<16xi32>], vector<16xf32>,
        %parallel_loop3A_135 = arith.addf %parallel_loop3A_123, %parallel_loop3A_134 : vector<16xf32>
        %parallel_loop3A_136 = arith.constant 4608 : i32
        %parallel_loop3A_137 = arith.addi %parallel_loop3A_136, %parallel_loop3A_85 : i32
        %parallel_loop3A_138 = arith.index_cast %parallel_loop3A_137 : i32 to index
        %parallel_loop3A_139 = tpu.vector_load %arg7[%parallel_loop3A_138] {strides = array<i32>} : memref<10240xi32, #tpu.memory_space<vmem>>, vector<16xi32>,
        %parallel_loop3A_140 = tpu.vector_load_idx %arg5[%parallel_loop3A_139] : memref<100000xf32, #tpu.memory_space<vmem>>[vector<16xi32>], vector<16xf32>,
        %parallel_loop3A_141 = arith.addf %parallel_loop3A_129, %parallel_loop3A_140 : vector<16xf32>
        %parallel_loop3A_142 = arith.constant 5120 : i32
        %parallel_loop3A_143 = arith.addi %parallel_loop3A_142, %parallel_loop3A_85 : i32
        %parallel_loop3A_144 = arith.index_cast %parallel_loop3A_143 : i32 to index
        %parallel_loop3A_145 = tpu.vector_load %arg7[%parallel_loop3A_144] {strides = array<i32>} : memref<10240xi32, #tpu.memory_space<vmem>>, vector<16xi32>,
        %parallel_loop3A_146 = tpu.vector_load_idx %arg5[%parallel_loop3A_145] : memref<100000xf32, #tpu.memory_space<vmem>>[vector<16xi32>], vector<16xf32>,
        %parallel_loop3A_147 = arith.addf %parallel_loop3A_135, %parallel_loop3A_146 : vector<16xf32>
        %parallel_loop3A_148 = arith.constant 5632 : i32
        %parallel_loop3A_149 = arith.addi %parallel_loop3A_148, %parallel_loop3A_85 : i32
        %parallel_loop3A_150 = arith.index_cast %parallel_loop3A_149 : i32 to index
        %parallel_loop3A_151 = tpu.vector_load %arg7[%parallel_loop3A_150] {strides = array<i32>} : memref<10240xi32, #tpu.memory_space<vmem>>, vector<16xi32>,
        %parallel_loop3A_152 = tpu.vector_load_idx %arg5[%parallel_loop3A_151] : memref<100000xf32, #tpu.memory_space<vmem>>[vector<16xi32>], vector<16xf32>,
        %parallel_loop3A_153 = arith.addf %parallel_loop3A_141, %parallel_loop3A_152 : vector<16xf32>
        %parallel_loop3A_154 = arith.constant 6144 : i32
        %parallel_loop3A_155 = arith.addi %parallel_loop3A_154, %parallel_loop3A_85 : i32
        %parallel_loop3A_156 = arith.index_cast %parallel_loop3A_155 : i32 to index
        %parallel_loop3A_157 = tpu.vector_load %arg7[%parallel_loop3A_156] {strides = array<i32>} : memref<10240xi32, #tpu.memory_space<vmem>>, vector<16xi32>,
        %parallel_loop3A_158 = tpu.vector_load_idx %arg5[%parallel_loop3A_157] : memref<100000xf32, #tpu.memory_space<vmem>>[vector<16xi32>], vector<16xf32>,
        %parallel_loop3A_159 = arith.addf %parallel_loop3A_147, %parallel_loop3A_158 : vector<16xf32>
        %parallel_loop3A_160 = arith.constant 6656 : i32
        %parallel_loop3A_161 = arith.addi %parallel_loop3A_160, %parallel_loop3A_85 : i32
        %parallel_loop3A_162 = arith.index_cast %parallel_loop3A_161 : i32 to index
        %parallel_loop3A_163 = tpu.vector_load %arg7[%parallel_loop3A_162] {strides = array<i32>} : memref<10240xi32, #tpu.memory_space<vmem>>, vector<16xi32>,
        %parallel_loop3A_164 = tpu.vector_load_idx %arg5[%parallel_loop3A_163] : memref<100000xf32, #tpu.memory_space<vmem>>[vector<16xi32>], vector<16xf32>,
        %parallel_loop3A_165 = arith.addf %parallel_loop3A_153, %parallel_loop3A_164 : vector<16xf32>
        %parallel_loop3A_166 = arith.constant 7168 : i32
        %parallel_loop3A_167 = arith.addi %parallel_loop3A_166, %parallel_loop3A_85 : i32
        %parallel_loop3A_168 = arith.index_cast %parallel_loop3A_167 : i32 to index
        %parallel_loop3A_169 = tpu.vector_load %arg7[%parallel_loop3A_168] {strides = array<i32>} : memref<10240xi32, #tpu.memory_space<vmem>>, vector<16xi32>,
        %parallel_loop3A_170 = tpu.vector_load_idx %arg5[%parallel_loop3A_169] : memref<100000xf32, #tpu.memory_space<vmem>>[vector<16xi32>], vector<16xf32>,
        %parallel_loop3A_171 = arith.addf %parallel_loop3A_159, %parallel_loop3A_170 : vector<16xf32>
        %parallel_loop3A_172 = arith.constant 7680 : i32
        %parallel_loop3A_173 = arith.addi %parallel_loop3A_172, %parallel_loop3A_85 : i32
        %parallel_loop3A_174 = arith.index_cast %parallel_loop3A_173 : i32 to index
        %parallel_loop3A_175 = tpu.vector_load %arg7[%parallel_loop3A_174] {strides = array<i32>} : memref<10240xi32, #tpu.memory_space<vmem>>, vector<16xi32>,
        %parallel_loop3A_176 = tpu.vector_load_idx %arg5[%parallel_loop3A_175] : memref<100000xf32, #tpu.memory_space<vmem>>[vector<16xi32>], vector<16xf32>,
        %parallel_loop3A_177 = arith.addf %parallel_loop3A_165, %parallel_loop3A_176 : vector<16xf32>
        %parallel_loop3A_178 = arith.constant 8192 : i32
        %parallel_loop3A_179 = arith.addi %parallel_loop3A_178, %parallel_loop3A_85 : i32
        %parallel_loop3A_180 = arith.index_cast %parallel_loop3A_179 : i32 to index
        %parallel_loop3A_181 = tpu.vector_load %arg7[%parallel_loop3A_180] {strides = array<i32>} : memref<10240xi32, #tpu.memory_space<vmem>>, vector<16xi32>,
        %parallel_loop3A_182 = tpu.vector_load_idx %arg5[%parallel_loop3A_181] : memref<100000xf32, #tpu.memory_space<vmem>>[vector<16xi32>], vector<16xf32>,
        %parallel_loop3A_183 = arith.addf %parallel_loop3A_171, %parallel_loop3A_182 : vector<16xf32>
        %parallel_loop3A_184 = arith.constant 8704 : i32
        %parallel_loop3A_185 = arith.addi %parallel_loop3A_184, %parallel_loop3A_85 : i32
        %parallel_loop3A_186 = arith.index_cast %parallel_loop3A_185 : i32 to index
        %parallel_loop3A_187 = tpu.vector_load %arg7[%parallel_loop3A_186] {strides = array<i32>} : memref<10240xi32, #tpu.memory_space<vmem>>, vector<16xi32>,
        %parallel_loop3A_188 = tpu.vector_load_idx %arg5[%parallel_loop3A_187] : memref<100000xf32, #tpu.memory_space<vmem>>[vector<16xi32>], vector<16xf32>,
        %parallel_loop3A_189 = arith.addf %parallel_loop3A_177, %parallel_loop3A_188 : vector<16xf32>
        %parallel_loop3A_190 = arith.constant 9216 : i32
        %parallel_loop3A_191 = arith.addi %parallel_loop3A_190, %parallel_loop3A_85 : i32
        %parallel_loop3A_192 = arith.index_cast %parallel_loop3A_191 : i32 to index
        %parallel_loop3A_193 = tpu.vector_load %arg7[%parallel_loop3A_192] {strides = array<i32>} : memref<10240xi32, #tpu.memory_space<vmem>>, vector<16xi32>,
        %parallel_loop3A_194 = tpu.vector_load_idx %arg5[%parallel_loop3A_193] : memref<100000xf32, #tpu.memory_space<vmem>>[vector<16xi32>], vector<16xf32>,
        %parallel_loop3A_195 = arith.addf %parallel_loop3A_183, %parallel_loop3A_194 : vector<16xf32>
        %parallel_loop3A_196 = arith.constant 9728 : i32
        %parallel_loop3A_197 = arith.addi %parallel_loop3A_196, %parallel_loop3A_85 : i32
        %parallel_loop3A_198 = arith.index_cast %parallel_loop3A_197 : i32 to index
        %parallel_loop3A_199 = tpu.vector_load %arg7[%parallel_loop3A_198] {strides = array<i32>} : memref<10240xi32, #tpu.memory_space<vmem>>, vector<16xi32>,
        %parallel_loop3A_200 = tpu.vector_load_idx %arg5[%parallel_loop3A_199] : memref<100000xf32, #tpu.memory_space<vmem>>[vector<16xi32>], vector<16xf32>,
        %parallel_loop3A_201 = arith.addf %parallel_loop3A_189, %parallel_loop3A_200 : vector<16xf32>
        %parallel_loop3A_202 = arith.addf %parallel_loop3A_195, %parallel_loop3A_201 : vector<16xf32>
        %parallel_loop3A_203 = vector.broadcast %scan3A_42 : f32 to vector<16xf32>
        %parallel_loop3A_204 = arith.mulf %parallel_loop3A_202, %parallel_loop3A_203 : vector<16xf32>
        %parallel_loop3A_205 = arith.constant 512 : i32
        %parallel_loop3A_206 = arith.muli %add3A_68, %parallel_loop3A_205 : i32
        %parallel_loop3A_207 = arith.addi %parallel_loop3A_206, %parallel_loop3A_85 : i32
        %parallel_loop3A_208 = arith.index_cast %parallel_loop3A_207 : i32 to index
        %parallel_loop3A_209 = tpu.vector_load %arg8[%parallel_loop3A_208] {strides = array<i32>} : memref<4096xf32, #tpu.memory_space<vmem>>, vector<16xf32>,
        tpu.vector_store %arg8[%parallel_loop3A_208], %parallel_loop3A_204 {strides = array<i32>} : memref<4096xf32, #tpu.memory_space<vmem>>, vector<16xf32>,
      } {sc.loop_unroll_factor = 1 : i64, sc.parallel_access}
    }
    %scan3A_47 = arith.constant 4 : i32
    "tpu.region"() ({
      %run_scoped3A = tpu.sem_alloc : memref<!tpu.dma_semaphore, #tpu.memory_space<semaphore_mem>>
      %dma_start3A_48 = arith.constant 0 : i32
      %dma_start3A_49 = tpu.memref_slice %arg4[%add3A_25, %dma_start3A_48] : memref<64x4096xf32, #tpu.memory_space<hbm>> -> memref<1x4096xf32, #tpu.memory_space<hbm>>
      %dma_start3A_50 = tpu.memref_squeeze %dma_start3A_49 : memref<1x4096xf32, #tpu.memory_space<hbm>> -> memref<4096xf32, #tpu.memory_space<hbm>>
      %dma_start3A_51 = arith.constant 0 : i32
      %dma_start3A_52 = tpu.memref_slice %arg4[%add3A_25, %dma_start3A_51] : memref<64x4096xf32, #tpu.memory_space<hbm>> -> memref<1x4096xf32, #tpu.memory_space<hbm>>
      %dma_start3A_53 = tpu.memref_squeeze %dma_start3A_52 : memref<1x4096xf32, #tpu.memory_space<hbm>> -> memref<4096xf32, #tpu.memory_space<hbm>>
      tpu.enqueue_dma source(%arg8 : memref<4096xf32, #tpu.memory_space<vmem>>) target(%dma_start3A_53 : memref<4096xf32, #tpu.memory_space<hbm>>) target_semaphore(%run_scoped3A : memref<!tpu.dma_semaphore, #tpu.memory_space<semaphore_mem>>)
      %dma_wait3A_54 = arith.constant 0 : i32
      %dma_wait3A_55 = tpu.memref_slice %arg4[%add3A_25, %dma_wait3A_54] : memref<64x4096xf32, #tpu.memory_space<hbm>> -> memref<1x4096xf32, #tpu.memory_space<hbm>>
      %dma_wait3A_56 = tpu.memref_squeeze %dma_wait3A_55 : memref<1x4096xf32, #tpu.memory_space<hbm>> -> memref<4096xf32, #tpu.memory_space<hbm>>
      %dma_wait3A_57 = arith.constant 0 : i32
      %dma_wait3A_58 = tpu.memref_slice %arg4[%add3A_25, %dma_wait3A_57] : memref<64x4096xf32, #tpu.memory_space<hbm>> -> memref<1x4096xf32, #tpu.memory_space<hbm>>
      %dma_wait3A_59 = tpu.memref_squeeze %dma_wait3A_58 : memref<1x4096xf32, #tpu.memory_space<hbm>> -> memref<4096xf32, #tpu.memory_space<hbm>>
      tpu.wait_dma2 semaphore(%run_scoped3A : memref<!tpu.dma_semaphore, #tpu.memory_space<semaphore_mem>>) src(%arg8 : memref<4096xf32, #tpu.memory_space<vmem>>) dst(%dma_wait3A_59 : memref<4096xf32, #tpu.memory_space<hbm>>)
      tpu.yield
    }) : () -> ()
    return
  }
}

</mosaic_0001>

<sc_bundles>
// kernel: _cbow_sc.3.cloned.1.call-start
scs
__scs_entry_jumppad:
0x0: {  	(pc) =	sbr.rel $0x88, $3  }
0x1: {  	(tag) =	ssettag $0x0;
	lr =	simm.s32 $0x1  }
0x2: {  	[smem:$0x3F9F] =	sst lr;
	_ =	strace $0xD0000000  }
0x3: {  	_ = 	snop  }
0x4: {  	_ = 	snop  }
0x5: {  	_ = 	snop  }
0x6: {  	_ = 	snop  }
0x7: {  	_ = 	snop  }
__scs_overlays_trampoline_lowered:
0x8: {  	[smem:$0x3FAE] =	sst s0  }
0x9: {  	[smem:$0x3FAF] =	sst s1  }
0xa: {  	[smem:$0x3FB0] =	sst s2  }
0xb: {  	[smem:$0x3FB1] =	sst s3  }
0xc: {  	[smem:$0x3FB2] =	sst s4  }
0xd: {  	[smem:$0x3FB3] =	sst s5  }
0xe: {  	[smem:$0x3FB4] =	sst s6  }
0xf: {  	[smem:$0x3FB5] =	sst s7  }
0x10: {  	[smem:$0x3FB6] =	sst s8  }
0x11: {  	[smem:$0x3FB7] =	sst s9;
	s0 =	simm.s32 @!p0 $0x0  }
0x12: {  	s1 =	sld [smem:$0x3F9D];
	s0 =	simm.s32 @p0 $0x1  }
0x13: {  	[smem:$0x3FB8] =	sst s0;
	s0 =	simm.s32 @!p1 $0x0  }
0x14: {  	s2 =	sld [smem:$0x3F9C];
	s0 =	simm.s32 @p1 $0x1  }
0x15: {  	[smem:$0x3FB9] =	sst s0;
	s0 =	simm.s32 @!p2 $0x0  }
0x16: {  	s3 =	sld [smem:$0x3FDB];
	s0 =	simm.s32 @p2 $0x1  }
0x17: {  	s4 =	simm.s32 $0x1BF5;
	[smem:$0x3FBB] =	sst s0  }
0x18: {  	s0 =	sld [smem:$0x3F9E];
	_ =	swait.ge [sflag:s4], $0x0  }
0x19: {  	s7 =	sld [smem:$0x3F9F]  }
0x1a: {  	s8 =	sadd.s32 $0xFFFFE003, lr  }
0x1b: {  	s9 =	sadd.s32 $0xFFFFFEF7, lr;
	s5 =	simm.s32 $0xFFFFFFFF;
	p2 =	slt.u32 s8, $0xFFFFF086  }
0x1c: {  	p1 =	slt.u32 s9, $0xF7A;
	s5 =	simm.s32 @!p2 $0x0  }
0x1d: {  	s5 =	simm.s32 @p1 $0x1;
	p0 =	seq.s32 s7, s2  }
0x1e: {  	s7 =	smul.u32 @!p0 $0xF7A, s2;
	p2 =	seq.s32 @!p0 s5, $0x0  }
0x1f: {  	s9 =	smul.u32 $0xF7A, s1;
	s8 =	simm.s32 @!p0 $0x1BF5;
	p2 =	por !p2, p0  }
0x20: {  	[sflag:s8] =	ssyncset.s32 @!p0 $0xFFFFF086;
	s6 =	sadd.s32 @!p0 s3, s7;
	s7 =	simm.s32 @!p0 $0x108  }
0x21: {  	s3 =	sadd.s32 s3, s9;
	s6 =	sadd.s32 @!p0 $0x88, s6;
	s7 =	simm.s32 @p2 $0x1082  }
0x22: {  	[simem:s7], [sflag:s8] =	dma.local @!p0 [hbm:s6], $0xF7A  }
0x23: {  	s9 =	sor.u32 $0xD0000000, s2;
	s6 =	simm.s32 $0x108;
	_ =	swait.ge @!p0 [sflag:s8], $0x0  }
0x24: {  	s3 =	sadd.s32 $0x88, s3;
	s6 =	simm.s32 @!p1 $0x1082;
	[sflag:s4] =	ssyncset.s32 $0xFFFFF086  }
0x25: {  	[simem:s6], [sflag:s4] =	dma.local [hbm:s3], $0xF7A  }
0x26: {  	[smem:$0x3F9F] =	sst s1;
	(tag) =	ssettag s2;
	_ =	strace s9  }
0x27: {  	s1 =	sld [smem:$0x3FAF]  }
0x28: {  	s2 =	sld [smem:$0x3FB0]  }
0x29: {  	s4 =	sld [smem:$0x3FB2]  }
0x2a: {  	p0 =	seq.s32 s5, $0x0;
	s5 =	sld [smem:$0x3FB3]  }
0x2b: {  	s6 =	sld [smem:$0x3FB4]  }
0x2c: {  	s7 =	sld [smem:$0x3FB5]  }
0x2d: {  	s3 =	simm.s32 $0x108;
	s8 =	sld [smem:$0x3FB6]  }
0x2e: {  	s3 =	simm.s32 @!p0 $0x1082;
	s9 =	sld [smem:$0x3FB7]  }
0x2f: {  	lr =	sadd.s32 s0, s3;
	s0 =	sld [smem:$0x3FAE]  }
0x30: {  	s3 =	sld [smem:$0x3FB1]  }
0x31: {  	[smem:$0x3FBA] =	sst s10  }
0x32: {  	s10 =	sld [smem:$0x3FB8];
	_ =	sdelay $0x3  }
0x33: {  	p0 =	seq.s32 s10, $0x1;
	s10 =	sld [smem:$0x3FBA];
	_ =	sdelay $0x3  }
0x34: {  	[smem:$0x3FBA] =	sst s10  }
0x35: {  	s10 =	sld [smem:$0x3FB9];
	_ =	sdelay $0x3  }
0x36: {  	p1 =	seq.s32 s10, $0x1;
	s10 =	sld [smem:$0x3FBA];
	_ =	sdelay $0x3  }
0x37: {  	[smem:$0x3FBA] =	sst s10  }
0x38: {  	s10 =	sld [smem:$0x3FBB]  }
0x39: {  	_ = 	snop;
	(pc) =	sbr.ind lr, $3  }
0x3a: {  	_ = 	snop  }
0x3b: {  	_ = 	snop  }
0x3c: {  	p2 =	seq.s32 s10, $0x1;
	s10 =	sld [smem:$0x3FBA]  }
0x3d: {  	_ =	shalt  }
0x3e: {  	_ =	shalt  }
0x3f: {  	_ =	shalt  }
0x40: {  	_ =	shalt  }
0x41: {  	_ =	shalt  }
0x42: {  	_ =	shalt  }
0x43: {  	_ =	shalt  }
0x44: {  	_ =	shalt  }
0x45: {  	_ =	shalt  }
0x46: {  	_ =	shalt  }
0x47: {  	_ =	shalt  }
0x48: {  	_ =	shalt  }
0x49: {  	_ =	shalt  }
0x4a: {  	_ =	shalt  }
0x4b: {  	_ =	shalt  }
0x4c: {  	_ =	shalt  }
0x4d: {  	_ =	shalt  }
0x4e: {  	_ =	shalt  }
0x4f: {  	_ =	shalt  }
0x50: {  	_ =	shalt  }
0x51: {  	_ =	shalt  }
0x52: {  	_ =	shalt  }
0x53: {  	_ =	shalt  }
0x54: {  	_ =	shalt  }
0x55: {  	_ =	shalt  }
0x56: {  	_ =	shalt  }
0x57: {  	_ =	shalt  }
0x58: {  	_ =	shalt  }
0x59: {  	_ =	shalt  }
0x5a: {  	_ =	shalt  }
0x5b: {  	_ =	shalt  }
0x5c: {  	_ =	shalt  }
0x5d: {  	_ =	shalt  }
0x5e: {  	_ =	shalt  }
0x5f: {  	_ =	shalt  }
0x60: {  	_ =	shalt  }
0x61: {  	_ =	shalt  }
0x62: {  	_ =	shalt  }
0x63: {  	_ =	shalt  }
0x64: {  	_ =	shalt  }
0x65: {  	_ =	shalt  }
0x66: {  	_ =	shalt  }
0x67: {  	_ =	shalt  }
0x68: {  	_ =	shalt  }
0x69: {  	_ =	shalt  }
0x6a: {  	_ =	shalt  }
0x6b: {  	_ =	shalt  }
0x6c: {  	_ =	shalt  }
0x6d: {  	_ =	shalt  }
0x6e: {  	_ =	shalt  }
0x6f: {  	_ =	shalt  }
0x70: {  	_ =	shalt  }
0x71: {  	_ =	shalt  }
0x72: {  	_ =	shalt  }
0x73: {  	_ =	shalt  }
0x74: {  	_ =	shalt  }
0x75: {  	_ =	shalt  }
0x76: {  	_ =	shalt  }
0x77: {  	_ =	shalt  }
0x78: {  	_ =	shalt  }
0x79: {  	_ =	shalt  }
0x7a: {  	_ =	shalt  }
0x7b: {  	_ =	shalt  }
0x7c: {  	_ =	shalt  }
0x7d: {  	_ =	shalt  }
0x7e: {  	_ =	shalt  }
0x7f: {  	_ =	shalt  }
0x80: {  	_ =	shalt  }
0x81: {  	_ =	shalt  }
0x82: {  	_ =	shalt  }
0x83: {  	_ =	shalt  }
0x84: {  	_ =	shalt  }
0x85: {  	_ =	shalt  }
0x86: {  	_ =	shalt  }
0x87: {  	_ =	shalt  }
.Lfunc_end0:
.L_simem_size_0:
called_computation_lowered:
.L_overlay_start_0:
0x88: {  	s2 =	sld [smem:$0x3FD9]  }
0x89: {  	s3 =	sld [smem:$0x3FFE];
	_ =	sdelay $0x1  }
0x8a: {  	s1 =	srdreg.scid  }
0x8b: {  	s0 =	sand.u32 $0x1, s1  }
0x8c: {  	s18 =	sshll.u32 s0, $0xA;
	s2 =	sadd.s32 s3, s2  }
0x8d: {  	s2 =	sadd.s32 s2, s18  }
0x8e: {  	[smem:$0x3FC6] =	sst s2  }
0x8f: {  	_ = 	snop  }
0x90: {  	s2 =	sld [smem:$0x3FC9]  }
0x91: {  	s19 =	sld [smem:$0x3FC8]  }
0x92: {  	s4 =	sld [smem:$0x3FD0];
	(tm) =	ssettm $0x1  }
0x93: {  	s5 =	sld [smem:$0x3FFB];
	_ =	sdelay $0x3  }
0x94: {  	_ =	strace s5  }
0x95: {  	s5 =	sld [smem:$0x3FFC];
	_ =	sdelay $0x3  }
0x96: {  	_ =	strace s5  }
0x97: {  	s5 =	sld [smem:$0x3FFD];
	_ =	sdelay $0x3  }
0x98: {  	_ =	strace s5  }
0x99: {  	_ =	strace $0x8FFFFFFF  }
0x9a: {  	s20 =	sld [smem:$0x3FDB];
	_ =	sdelay $0x1  }
0x9b: {  	s6 =	simm.s32 $_scs_section_size  }
0x9c: {  	s7 =	simm.s32 $_size__tile_overlayer_lowered;
	s8 =	simm.s32 $_tile_overlayer_lowered  }
0x9d: {  	s23 =	simm.s32 $0x1BFF;
	s22 =	sshll.u32 s8, $0x1;
	s5 =	sadd.s32 s6, s20  }
0x9e: {  	s9 =	simm.s32 $0x0;
	s21 =	sshll.u32 s7, $0x1;
	s7 =	sadd.s32 s22, s5  }
0x9f: {  	[timem:s9], [sflag:s23] =	dma.local [hbm:s7], s21  }
0xa0: {  	_ =	swait.ge [sflag:s23], s21  }
0xa1: {  	s6 =	ssub.s32 $0x0, s21;
	[sflag:s23] =	ssyncset.done $0x0  }
0xa2: {  	[sflag:s23] =	ssyncadd.s32 s6;
	_ =	sdelay $0x1  }
0xa3: {  	s24 =	simm.s32 $0x1B8B  }
0xa4: {  	_ =	swait.ge [sflag:s24], $0x1  }
0xa5: {  	[sflag:s24] =	ssyncset.done $0x0  }
0xa6: {  	s25 =	simm.s32 $0x1B8E;
	[sflag:s24] =	ssyncadd.s32 $0xFFFFFFFF  }
0xa7: {  	s26 =	simm.s32 $execute0_lowered;
	[smem:$0x3FD2] =	sst s25  }
0xa8: {  	s6 =	sshll.u32 s26, $0x1;
	_ =	strace $0x80000046;
	[dreg:$0x1] =	wrdreg $0xFFFFFFFF  }
0xa9: {  	s28 =	simm.s32 $_size_execute0_lowered;
	s5 =	sadd.s32 s5, s6;
	[dreg:$0x0] =	wrdreg $0x0  }
0xaa: {  	s6 =	sshll.u32 s28, $0x1;
	[dreg:$0x2] =	wrdreg s5  }
0xab: {  	[dreg:$0x3] =	wrdreg s6  }
0xac: {  	[dreg:$0x4] =	wrdreg $0xC0  }
0xad: {  	_ =	task [dreg:s9], $0x5FFFF  }
0xae: {  	[dreg:$0x1] =	wrdreg $0xFFFFFFFF  }
0xaf: {  	[dreg:$0x0] =	wrdreg $0x60  }
0xb0: {  	[dreg:$0x2] =	wrdreg s2  }
0xb1: {  	[dreg:$0x3] =	wrdreg s19  }
0xb2: {  	[dreg:$0x4] =	wrdreg s4  }
0xb3: {  	[dreg:$0x5] =	wrdreg $0x1E7000  }
0xb4: {  	[dreg:$0x6] =	wrdreg $0x9  }
0xb5: {  	_ =	task.clear_ibuf [dreg:s9], $0x7FFFF;
	_ =	strace $0x90000046  }
0xb6: {  	s29 =	simm.s32 $0x9;
	_ =	strace $0x80000048  }
0xb7: {  	_ =	swait.ge [sflag:s29], $0x1  }
0xb8: {  	[sflag:s29] =	ssyncadd.s32 $0xFFFFFFFF  }
0xb9: {  	_ =	strace $0x90000048  }
0xba: {  	_ =	sfence  }
0xbb: {  	s30 =	sld [smem:$0x0];
	_ =	sdelay $0x2  }
0xbc: {  	s31 =	sshll.u32 s1, $0xD;
	s1 =	sshrl.u32 s1, $0x2  }
0xbd: {  	s3 =	sand.u32 $0x4000, s31;
	s1 =	sadd.s32 s1, s30  }
0xbe: {  	s0 =	sor.u32 s3, s0;
	s1 =	sshll.u32 s1, $0x11  }
0xbf: {  	s0 =	sor.u32 s1, s0  }
0xc0: {  	s0 =	sadd.s32 $0x8F2B, s0  }
0xc1: {  	[sflag:s0] =	ssyncadd.remote.s32 $0x1  }
0xc2: {  	_ =	sfence.sel $0xFFFF  }
0xc3: {  	[dreg:$0x0] =	wrdreg $0xFFFFFFFF;
	(pc) =	sbr.abs _section_cstart, $3  }
0xc4: {  	[dreg:$0x1] =	wrdreg $0xFFFFFFFF  }
0xc5: {  	_ =	task.clear_ibuf [dreg:s9], $0x2FFFF;
	_ =	strace $0x9FFFFFFF  }
0xc6: {  	(tm) =	ssettm $0x7FFFFFFF  }
0xc7: {  	_ =	shalt  }
tec
execute0_lowered:
.L_overlay_start_1:
0x0: {  	(tag) =	ssettag $0x1  }
0x1: {  	s1 =	rddreg [dreg:$0x0]  }
0x2: {  	s6 =	rddreg [dreg:$0x1]  }
0x3: {  	s7 =	rddreg [dreg:$0x2]  }
0x4: {  	s2 =	rddreg [dreg:$0x3];
	s3 =	simm.s32 $0x0;
	s4 =	srdreg.scid  }
0x5: {  	s8 =	stileid.u32;
	s13 =	simm.s32 $0x1;
	s14 =	simm.s32 $0x2  }
0x6: {  	s15 =	simm.s32 $0x1AF00;
	s16 =	simm.s32 $0x3;
	s17 =	simm.s32 $0x1D700  }
0x7: {  	s18 =	simm.s32 $0x4;
	s19 =	simm.s32 $0x0;
	[smem:$0x7FF] =	sst s3  }
0x8: {  	s4 =	sand.u32 $0x1, s4;
	s9 =	sshrl.u32 s8, $0x2;
	s10 =	sshll.u32 s8, $0x8  }
0x9: {  	p0 =	sne.s32 s8, $0x0;
	s5 =	ssub.s32 $0x2, s4;
	s4 =	sshll.u32 s4, $0x7  }
0xa: {  	s10 =	sand.u32 $0x300, s10;
	s11 =	smul.u32 $0xC3800, s9;
	_ =	strace $0x80000047  }
0xb: {  	s29 =	sor.u32 $0x4, s9;
	s9 =	sshll.u32 s9, $0xF;
	s12 =	sshrl.u32 s5, $0x1  }
0xc: {  	s10 =	sor.u32 s4, s10;
	s30 =	smul.u32 $0xC3800, s29;
	s12 =	ssub.s32 s5, s12  }
0xd: {  	s4 =	sor.u32 s11, s10;
	s9 =	sor.u32 s9, s10;
	s5 =	sshll.u32 s29, $0xF  }
0xe: {  	s4 =	sshrl.u32 s4, $0x3;
	s9 =	sshrl.u32 s9, $0x3;
	s11 =	sor.u32 s10, s30  }
0xf: {  	s10 =	sor.u32 s10, s5;
	s8 =	smax.u32 s12, $0x1;
	s12 =	simm.s32 $0x18700  }
0x10: {  	s4 =	sadd.s32 s6, s4;
	s5 =	sadd.s32 s7, s9;
	s31 =	sshrl.u32 s11, $0x3  }
0x11: {  	s10 =	sshrl.u32 s10, $0x3;
	s9 =	sshrl.u32 @!p0 s2, $0x3;
	s11 =	simm.s32 $0x400  }
0x12: {  	s6 =	sadd.s32 s6, s31;
	s7 =	sadd.s32 s7, s10;
	s10 =	simm.s32 $0x80  }
.LBB2_1:
0x13: {  	s20 =	simm.s32 @!p0 $0x1C04  }
0x14: {  	[spmem:s9], [sflag:s20] =	dma.local @!p0 [hbm:s1], $0x2800  }
0x15: {  	s20 =	simm.s32 @!p0 $0x4  }
0x16: {  	_ =	swait.ge @!p0 [sflag:s20], $0x2800  }
0x17: {  	[sflag:s20] =	ssyncset.done @!p0 $0x0  }
0x18: {  	[sflag:s20] =	ssyncadd.s32 @!p0 $0xFFFFD800  }
0x19: {  	[bflag:$0x0] =	sbarrier.arrive $0xFFFF  }
0x1a: {  	[tilespmem:s3], [sflag:$0x1] =	stream.strided.gather [hbm4b:s4+s10], $0x18700, s11, s10, $0x38;
	[tilespmem:$0x1FB00] =	vst v63  }
0x1b: {  	_ = 	snop  }
0x1c: {  	[tilespmem:s12], [sflag:$0x2] =	stream.linear.gather [spmem:s2], $0x2800, $0x38;
	[tilespmem:$0x1FB00] =	vst v63  }
0x1d: {  	_ =	swait.ge [sflag:s13], $0x18700  }
0x1e: {  	[sflag:s13] =	ssyncset.done $0x0  }
0x1f: {  	s20 =	simm.s32 $0x0;
	[sflag:s13] =	ssyncadd.s32 $0xFFFE7900  }
.LBB2_2:
0x20: {  	s21 =	sshllo.u32 s20, $0x1  }
0x21: {  	s22 =	smul.u32 $0xA000, s21  }
0x22: {  	_ =	swait.ge [sflag:s14], $0x2800  }
0x23: {  	[sflag:s14] =	ssyncset.done $0x0;
	s22 =	sshra.s32 s22, $0x2  }
0x24: {  	s31 =	simm.s32 $0x0;
	[sflag:s14] =	ssyncadd.s32 $0xFFFFD800;
	s22 =	sadd.s32 s22, s2  }
0x25: {  	[tilespmem:s15], [sflag:$0x3] =	stream.linear.gather [spmem:s22], $0x2800, $0x38;
	[tilespmem:$0x1FB00] =	vst v63  }
0x26: {  	s25 =	simm.s32 $0x18700;
	s23 =	sand.u32 $0x180, s31;
	s22 =	sand.u32 $0x70, s31  }
0x27: {  	v8 =	vld [tilespmem:s25+$0x0];
	s28 =	sor.u32 s22, s23  }
0x28: {  	v1 =	vld [tilespmem:s28+$0x1AB00]  }
0x29: {  	v0 =	vld [tilespmem:s28+$0x1AD00]  }
0x2a: {  	v3 =	vld [tilespmem:s28+$0x1A700]  }
0x2b: {  	v2 =	vld [tilespmem:s28+$0x1A900]  }
0x2c: {  	v5 =	vld [tilespmem:s28+$0x1A300]  }
0x2d: {  	v4 =	vld [tilespmem:s28+$0x1A500]  }
0x2e: {  	v7 =	vld [tilespmem:s28+$0x19F00]  }
0x2f: {  	v6 =	vld [tilespmem:s28+$0x1A100]  }
0x30: {  	v10 =	vld [tilespmem:s28+$0x19B00]  }
0x31: {  	v9 =	vld [tilespmem:s28+$0x19D00]  }
0x32: {  	s24 =	sshll.u32 s20, $0xA;
	v11 =	vld [tilespmem:s28+$0x19700]  }
0x33: {  	s24 =	sand.u32 $0x3FFFFC00, s24;
	v12 =	vld [tilespmem:s28+$0x18900]  }
0x34: {  	s26 =	simm.s32 $0x10;
	s24 =	sadd.s32 $0x1D700, s24;
	v13 =	vld [tilespmem:s28+$0x18B00]  }
.LBB2_3:
0x35: {  	p1 =	sne.s32 s26, $0x1F0;
	v14 =	vld [tilespmem:s28+$0x18D00]  }
0x36: {  	v15 =	vld [tilespmem:s28+$0x19900]  }
0x37: {  	v16 =	vld [tilespmem:s28+$0x18F00]  }
0x38: {  	v17 =	vld [tilespmem:s28+$0x19100]  }
0x39: {  	v18 =	vld [tilespmem:s28+$0x19300]  }
0x3a: {  	v19 =	vld [tilespmem:s28+$0x19500]  }
0x3b: {  	v12 =	vld.idx.msk [tilespmem:v12+s3+$0x0], $0xffff  }
0x3c: {  	v13 =	vld.idx.msk [tilespmem:v13+s3+$0x0], $0xffff  }
0x3d: {  	v14 =	vld.idx.msk [tilespmem:v14+s3+$0x0], $0xffff  }
0x3e: {  	v8 =	vld.idx.msk [tilespmem:v8+s3+$0x0], $0xffff  }
0x3f: {  	v16 =	vld.idx.msk [tilespmem:v16+s3+$0x0], $0xffff  }
0x40: {  	v17 =	vld.idx.msk [tilespmem:v17+s3+$0x0], $0xffff  }
0x41: {  	v18 =	vld.idx.msk [tilespmem:v18+s3+$0x0], $0xffff  }
0x42: {  	v19 =	vld.idx.msk [tilespmem:v19+s3+$0x0], $0xffff  }
0x43: {  	v11 =	vld.idx.msk [tilespmem:v11+s3+$0x0], $0xffff  }
0x44: {  	v12 =	vadd.f32 v14, v12;
	v8 =	vadd.f32 v13, v8;
	v13 =	vld.idx.msk [tilespmem:v15+s3+$0x0], $0xffff  }
0x45: {  	v10 =	vld.idx.msk [tilespmem:v10+s3+$0x0], $0xffff  }
0x46: {  	v8 =	vadd.f32 v16, v8;
	v12 =	vadd.f32 v17, v12;
	v9 =	vld.idx.msk [tilespmem:v9+s3+$0x0], $0xffff  }
0x47: {  	v7 =	vld.idx.msk [tilespmem:v7+s3+$0x0], $0xffff  }
0x48: {  	v8 =	vadd.f32 v18, v8;
	v12 =	vadd.f32 v19, v12;
	v6 =	vld.idx.msk [tilespmem:v6+s3+$0x0], $0xffff  }
0x49: {  	v5 =	vld.idx.msk [tilespmem:v5+s3+$0x0], $0xffff  }
0x4a: {  	v8 =	vadd.f32 v11, v8;
	v11 =	vadd.f32 v13, v12;
	v4 =	vld.idx.msk [tilespmem:v4+s3+$0x0], $0xffff  }
0x4b: {  	v12 =	vld.idx.msk [tilespmem:v3+s3+$0x0], $0xffff  }
0x4c: {  	v3 =	vadd.f32 v10, v8;
	v8 =	vadd.f32 v9, v11;
	v2 =	vld.idx.msk [tilespmem:v2+s3+$0x0], $0xffff  }
0x4d: {  	v9 =	vld.idx.msk [tilespmem:v1+s3+$0x0], $0xffff  }
0x4e: {  	s29 =	sand.u32 $0x180, s26;
	s30 =	sand.u32 $0x70, s26;
	s25 =	sadd.s32 $0x10, s25;
	v3 =	vadd.f32 v7, v3;
	v6 =	vadd.f32 v6, v8;
	v7 =	vld.idx.msk [tilespmem:v0+s3+$0x0], $0xffff  }
0x4f: {  	s28 =	sor.u32 s30, s29;
	v8 =	vld [tilespmem:s25+$0x0]  }
0x50: {  	v5 =	vadd.f32 v5, v3;
	v4 =	vadd.f32 v4, v6;
	v1 =	vld [tilespmem:s28+$0x1AB00]  }
0x51: {  	v0 =	vld [tilespmem:s28+$0x1AD00]  }
0x52: {  	v6 =	vadd.f32 v12, v5;
	v4 =	vadd.f32 v2, v4;
	v3 =	vld [tilespmem:s28+$0x1A700]  }
0x53: {  	v2 =	vld [tilespmem:s28+$0x1A900]  }
0x54: {  	v6 =	vadd.f32 v9, v6;
	v9 =	vadd.f32 v7, v4;
	v5 =	vld [tilespmem:s28+$0x1A300]  }
0x55: {  	v4 =	vld [tilespmem:s28+$0x1A500]  }
0x56: {  	v9 =	vadd.f32 v9, v6;
	v7 =	vld [tilespmem:s28+$0x19F00]  }
0x57: {  	v6 =	vld [tilespmem:s28+$0x1A100]  }
.Ltmp0:
0x58: {  	s31 =	sadd.s32 s23, s24;
	s23 =	smov.u32 s29;
	v12 =	vmul.f32 $5.000000070e-02, v9;
	v10 =	vld [tilespmem:s28+$0x19B00];
	(pc) =	sbr.rel @p1 .LBB2_3-.Ltmp0, $4  }
0x59: {  	s29 =	sadd.s32 s22, s31;
	s22 =	smov.u32 s30;
	v9 =	vld [tilespmem:s28+$0x19D00]  }
0x5a: {  	v11 =	vld [tilespmem:s28+$0x19700];
	[tilespmem:s29+$0x0] =	vst v12  }
0x5b: {  	v12 =	vld [tilespmem:s28+$0x18900]  }
0x5c: {  	s26 =	sadd.s32 $0x10, s26;
	v13 =	vld [tilespmem:s28+$0x18B00]  }
0x5d: {  	v14 =	vld [tilespmem:s28+$0x18D00]  }
0x5e: {  	v15 =	vld [tilespmem:s28+$0x19900]  }
0x5f: {  	v16 =	vld [tilespmem:s28+$0x18F00]  }
0x60: {  	v17 =	vld [tilespmem:s28+$0x19100]  }
0x61: {  	v18 =	vld [tilespmem:s28+$0x19300]  }
0x62: {  	v19 =	vld [tilespmem:s28+$0x19500]  }
0x63: {  	v8 =	vld.idx.msk [tilespmem:v8+s3+$0x0], $0xffff  }
0x64: {  	v12 =	vld.idx.msk [tilespmem:v12+s3+$0x0], $0xffff  }
0x65: {  	v13 =	vld.idx.msk [tilespmem:v13+s3+$0x0], $0xffff  }
0x66: {  	v14 =	vld.idx.msk [tilespmem:v14+s3+$0x0], $0xffff  }
0x67: {  	v16 =	vld.idx.msk [tilespmem:v16+s3+$0x0], $0xffff  }
0x68: {  	v17 =	vld.idx.msk [tilespmem:v17+s3+$0x0], $0xffff  }
0x69: {  	v18 =	vld.idx.msk [tilespmem:v18+s3+$0x0], $0xffff  }
0x6a: {  	v19 =	vld.idx.msk [tilespmem:v19+s3+$0x0], $0xffff  }
0x6b: {  	v11 =	vld.idx.msk [tilespmem:v11+s3+$0x0], $0xffff;
	v8 =	vadd.f32 v13, v8;
	v12 =	vadd.f32 v14, v12  }
0x6c: {  	v13 =	vld.idx.msk [tilespmem:v15+s3+$0x0], $0xffff  }
0x6d: {  	v10 =	vld.idx.msk [tilespmem:v10+s3+$0x0], $0xffff;
	v8 =	vadd.f32 v16, v8;
	v12 =	vadd.f32 v17, v12  }
0x6e: {  	v9 =	vld.idx.msk [tilespmem:v9+s3+$0x0], $0xffff  }
0x6f: {  	v7 =	vld.idx.msk [tilespmem:v7+s3+$0x0], $0xffff;
	v8 =	vadd.f32 v18, v8;
	v12 =	vadd.f32 v19, v12  }
0x70: {  	v6 =	vld.idx.msk [tilespmem:v6+s3+$0x0], $0xffff  }
0x71: {  	v5 =	vld.idx.msk [tilespmem:v5+s3+$0x0], $0xffff;
	v8 =	vadd.f32 v11, v8;
	v11 =	vadd.f32 v13, v12  }
0x72: {  	v4 =	vld.idx.msk [tilespmem:v4+s3+$0x0], $0xffff  }
0x73: {  	v3 =	vld.idx.msk [tilespmem:v3+s3+$0x0], $0xffff;
	v8 =	vadd.f32 v10, v8;
	v9 =	vadd.f32 v9, v11  }
0x74: {  	v2 =	vld.idx.msk [tilespmem:v2+s3+$0x0], $0xffff  }
0x75: {  	v1 =	vld.idx.msk [tilespmem:v1+s3+$0x0], $0xffff;
	v7 =	vadd.f32 v7, v8;
	v6 =	vadd.f32 v6, v9  }
0x76: {  	v0 =	vld.idx.msk [tilespmem:v0+s3+$0x0], $0xffff  }
0x77: {  	v5 =	vadd.f32 v5, v7;
	v4 =	vadd.f32 v4, v6;
	_ =	sdelay $0x1  }
0x78: {  	v3 =	vadd.f32 v3, v5;
	v2 =	vadd.f32 v2, v4;
	_ =	sdelay $0x1  }
0x79: {  	v1 =	vadd.f32 v1, v3;
	v0 =	vadd.f32 v0, v2;
	_ =	sdelay $0x1  }
0x7a: {  	v0 =	vadd.f32 v0, v1;
	_ =	sdelay $0x1  }
0x7b: {  	s23 =	sadd.s32 s23, s24;
	p1 =	seq.s32 s20, $0x3;
	v0 =	vmul.f32 $5.000000070e-02, v0  }
0x7c: {  	s22 =	sadd.s32 s22, s23;
	s23 =	smul.u32 @!p1 $0x14000, s20  }
0x7d: {  	[tilespmem:s22+$0x0] =	vst v0  }
0x7e: {  	s22 =	sshra.s32 @!p1 s23, $0x2;
	_ =	swait.ge [sflag:s16], $0x2800  }
0x7f: {  	s31 =	simm.s32 $0x0;
	s22 =	sadd.s32 @!p1 s22, s2;
	[sflag:s16] =	ssyncset.done $0x0  }
0x80: {  	s23 =	simm.s32 @!p1 $0x18700;
	s22 =	sadd.s32 @!p1 $0x5000, s22;
	[sflag:s16] =	ssyncadd.s32 $0xFFFFD800  }
0x81: {  	[tilespmem:s23], [sflag:$0x2] =	stream.linear.gather @!p1 [spmem:s22], $0x2800, $0x38;
	[tilespmem:$0x1FB00] =	vst v63  }
0x82: {  	s24 =	simm.s32 $0x1AF00;
	s23 =	sand.u32 $0x180, s31;
	s22 =	sand.u32 $0x70, s31  }
0x83: {  	v8 =	vld [tilespmem:s24+$0x0];
	s26 =	sor.u32 s22, s23  }
0x84: {  	v1 =	vld [tilespmem:s26+$0x1D300]  }
0x85: {  	v0 =	vld [tilespmem:s26+$0x1D500]  }
0x86: {  	v3 =	vld [tilespmem:s26+$0x1CF00]  }
0x87: {  	v2 =	vld [tilespmem:s26+$0x1D100]  }
0x88: {  	v5 =	vld [tilespmem:s26+$0x1CB00]  }
0x89: {  	v4 =	vld [tilespmem:s26+$0x1CD00]  }
0x8a: {  	v7 =	vld [tilespmem:s26+$0x1C700]  }
0x8b: {  	v6 =	vld [tilespmem:s26+$0x1C900]  }
0x8c: {  	v10 =	vld [tilespmem:s26+$0x1C300]  }
0x8d: {  	v9 =	vld [tilespmem:s26+$0x1C500]  }
0x8e: {  	s21 =	sshll.u32 s21, $0x9;
	v11 =	vld [tilespmem:s26+$0x1BF00]  }
0x8f: {  	s21 =	sand.u32 $0x3FFFFE00, s21;
	v12 =	vld [tilespmem:s26+$0x1B100]  }
0x90: {  	s25 =	simm.s32 $0x10;
	s21 =	sadd.s32 $0x1D700, s21;
	v13 =	vld [tilespmem:s26+$0x1B300]  }
.LBB2_5:
0x91: {  	p1 =	sne.s32 s25, $0x1F0;
	v14 =	vld [tilespmem:s26+$0x1B500]  }
0x92: {  	v15 =	vld [tilespmem:s26+$0x1C100]  }
0x93: {  	v16 =	vld [tilespmem:s26+$0x1B700]  }
0x94: {  	v17 =	vld [tilespmem:s26+$0x1B900]  }
0x95: {  	v18 =	vld [tilespmem:s26+$0x1BB00]  }
0x96: {  	v19 =	vld [tilespmem:s26+$0x1BD00]  }
0x97: {  	v12 =	vld.idx.msk [tilespmem:v12+s3+$0x0], $0xffff  }
0x98: {  	v13 =	vld.idx.msk [tilespmem:v13+s3+$0x0], $0xffff  }
0x99: {  	v14 =	vld.idx.msk [tilespmem:v14+s3+$0x0], $0xffff  }
0x9a: {  	v8 =	vld.idx.msk [tilespmem:v8+s3+$0x0], $0xffff  }
0x9b: {  	v16 =	vld.idx.msk [tilespmem:v16+s3+$0x0], $0xffff  }
0x9c: {  	v17 =	vld.idx.msk [tilespmem:v17+s3+$0x0], $0xffff  }
0x9d: {  	v18 =	vld.idx.msk [tilespmem:v18+s3+$0x0], $0xffff  }
0x9e: {  	v19 =	vld.idx.msk [tilespmem:v19+s3+$0x0], $0xffff  }
0x9f: {  	v11 =	vld.idx.msk [tilespmem:v11+s3+$0x0], $0xffff  }
0xa0: {  	v12 =	vadd.f32 v14, v12;
	v8 =	vadd.f32 v13, v8;
	v13 =	vld.idx.msk [tilespmem:v15+s3+$0x0], $0xffff  }
0xa1: {  	v10 =	vld.idx.msk [tilespmem:v10+s3+$0x0], $0xffff  }
0xa2: {  	v8 =	vadd.f32 v16, v8;
	v12 =	vadd.f32 v17, v12;
	v9 =	vld.idx.msk [tilespmem:v9+s3+$0x0], $0xffff  }
0xa3: {  	v7 =	vld.idx.msk [tilespmem:v7+s3+$0x0], $0xffff  }
0xa4: {  	v8 =	vadd.f32 v18, v8;
	v12 =	vadd.f32 v19, v12;
	v6 =	vld.idx.msk [tilespmem:v6+s3+$0x0], $0xffff  }
0xa5: {  	v5 =	vld.idx.msk [tilespmem:v5+s3+$0x0], $0xffff  }
0xa6: {  	v8 =	vadd.f32 v11, v8;
	v11 =	vadd.f32 v13, v12;
	v4 =	vld.idx.msk [tilespmem:v4+s3+$0x0], $0xffff  }
0xa7: {  	v12 =	vld.idx.msk [tilespmem:v3+s3+$0x0], $0xffff  }
0xa8: {  	v3 =	vadd.f32 v10, v8;
	v8 =	vadd.f32 v9, v11;
	v2 =	vld.idx.msk [tilespmem:v2+s3+$0x0], $0xffff  }
0xa9: {  	v9 =	vld.idx.msk [tilespmem:v1+s3+$0x0], $0xffff  }
0xaa: {  	s28 =	sand.u32 $0x180, s25;
	s29 =	sand.u32 $0x70, s25;
	s24 =	sadd.s32 $0x10, s24;
	v3 =	vadd.f32 v7, v3;
	v6 =	vadd.f32 v6, v8;
	v7 =	vld.idx.msk [tilespmem:v0+s3+$0x0], $0xffff  }
0xab: {  	s26 =	sor.u32 s29, s28;
	v8 =	vld [tilespmem:s24+$0x0]  }
0xac: {  	v5 =	vadd.f32 v5, v3;
	v4 =	vadd.f32 v4, v6;
	v1 =	vld [tilespmem:s26+$0x1D300]  }
0xad: {  	v0 =	vld [tilespmem:s26+$0x1D500]  }
0xae: {  	v6 =	vadd.f32 v12, v5;
	v4 =	vadd.f32 v2, v4;
	v3 =	vld [tilespmem:s26+$0x1CF00]  }
0xaf: {  	v2 =	vld [tilespmem:s26+$0x1D100]  }
0xb0: {  	v6 =	vadd.f32 v9, v6;
	v9 =	vadd.f32 v7, v4;
	v5 =	vld [tilespmem:s26+$0x1CB00]  }
0xb1: {  	v4 =	vld [tilespmem:s26+$0x1CD00]  }
0xb2: {  	v9 =	vadd.f32 v9, v6;
	v7 =	vld [tilespmem:s26+$0x1C700]  }
0xb3: {  	v6 =	vld [tilespmem:s26+$0x1C900]  }
.Ltmp1:
0xb4: {  	s30 =	sadd.s32 s23, s21;
	s23 =	smov.u32 s28;
	v12 =	vmul.f32 $5.000000070e-02, v9;
	v10 =	vld [tilespmem:s26+$0x1C300];
	(pc) =	sbr.rel @p1 .LBB2_5-.Ltmp1, $4  }
0xb5: {  	s28 =	sadd.s32 s22, s30;
	s22 =	smov.u32 s29;
	v9 =	vld [tilespmem:s26+$0x1C500]  }
0xb6: {  	v11 =	vld [tilespmem:s26+$0x1BF00];
	[tilespmem:s28+$0x0] =	vst v12  }
0xb7: {  	v12 =	vld [tilespmem:s26+$0x1B100]  }
0xb8: {  	s25 =	sadd.s32 $0x10, s25;
	v13 =	vld [tilespmem:s26+$0x1B300]  }
0xb9: {  	v14 =	vld [tilespmem:s26+$0x1B500]  }
0xba: {  	v15 =	vld [tilespmem:s26+$0x1C100]  }
0xbb: {  	v16 =	vld [tilespmem:s26+$0x1B700]  }
0xbc: {  	v17 =	vld [tilespmem:s26+$0x1B900]  }
0xbd: {  	v18 =	vld [tilespmem:s26+$0x1BB00]  }
0xbe: {  	v19 =	vld [tilespmem:s26+$0x1BD00]  }
0xbf: {  	v8 =	vld.idx.msk [tilespmem:v8+s3+$0x0], $0xffff  }
0xc0: {  	v12 =	vld.idx.msk [tilespmem:v12+s3+$0x0], $0xffff  }
0xc1: {  	v13 =	vld.idx.msk [tilespmem:v13+s3+$0x0], $0xffff  }
0xc2: {  	v14 =	vld.idx.msk [tilespmem:v14+s3+$0x0], $0xffff  }
0xc3: {  	v16 =	vld.idx.msk [tilespmem:v16+s3+$0x0], $0xffff  }
0xc4: {  	v17 =	vld.idx.msk [tilespmem:v17+s3+$0x0], $0xffff  }
0xc5: {  	v18 =	vld.idx.msk [tilespmem:v18+s3+$0x0], $0xffff  }
0xc6: {  	v19 =	vld.idx.msk [tilespmem:v19+s3+$0x0], $0xffff  }
0xc7: {  	v11 =	vld.idx.msk [tilespmem:v11+s3+$0x0], $0xffff;
	v8 =	vadd.f32 v13, v8;
	v12 =	vadd.f32 v14, v12  }
0xc8: {  	v62 =	vld.idx.msk [tilespmem:v15+s3+$0x0], $0xffff  }
0xc9: {  	v10 =	vld.idx.msk [tilespmem:v10+s3+$0x0], $0xffff;
	v8 =	vadd.f32 v16, v8;
	v12 =	vadd.f32 v17, v12  }
0xca: {  	v9 =	vld.idx.msk [tilespmem:v9+s3+$0x0], $0xffff  }
0xcb: {  	v7 =	vld.idx.msk [tilespmem:v7+s3+$0x0], $0xffff;
	v8 =	vadd.f32 v18, v8;
	v12 =	vadd.f32 v19, v12  }
0xcc: {  	v6 =	vld.idx.msk [tilespmem:v6+s3+$0x0], $0xffff  }
0xcd: {  	v5 =	vld.idx.msk [tilespmem:v5+s3+$0x0], $0xffff;
	v8 =	vadd.f32 v11, v8;
	v63 =	vadd.f32 v62, v12  }
0xce: {  	v4 =	vld.idx.msk [tilespmem:v4+s3+$0x0], $0xffff  }
0xcf: {  	v3 =	vld.idx.msk [tilespmem:v3+s3+$0x0], $0xffff;
	v8 =	vadd.f32 v10, v8;
	v9 =	vadd.f32 v9, v63  }
0xd0: {  	v2 =	vld.idx.msk [tilespmem:v2+s3+$0x0], $0xffff  }
0xd1: {  	v1 =	vld.idx.msk [tilespmem:v1+s3+$0x0], $0xffff;
	v7 =	vadd.f32 v7, v8;
	v6 =	vadd.f32 v6, v9  }
0xd2: {  	v0 =	vld.idx.msk [tilespmem:v0+s3+$0x0], $0xffff  }
0xd3: {  	v5 =	vadd.f32 v5, v7;
	v4 =	vadd.f32 v4, v6;
	_ =	sdelay $0x1  }
0xd4: {  	v3 =	vadd.f32 v3, v5;
	v2 =	vadd.f32 v2, v4;
	_ =	sdelay $0x1  }
0xd5: {  	s20 =	sadd.s32 $0x1, s20;
	v1 =	vadd.f32 v1, v3;
	v0 =	vadd.f32 v0, v2  }
0xd6: {  	p1 =	sne.s32 s20, $0x4  }
.Ltmp2:
0xd7: {  	v0 =	vadd.f32 v0, v1;
	(pc) =	sbr.rel @p1 .LBB2_2-.Ltmp2, $4  }
0xd8: {  	_ = 	snop  }
0xd9: {  	s21 =	sadd.s32 s23, s21;
	v0 =	vmul.f32 $5.000000070e-02, v0  }
0xda: {  	s21 =	sadd.s32 s22, s21  }
0xdb: {  	[tilespmem:s21+$0x0] =	vst v0  }
0xdc: {  	[hbm4b:s5+s10] =	stream.strided.scatter [tilespmem:s17], [sflag:$0x4], $0x1000, s11, s10, $0x38;
	[tilespmem:$0x1FB00] =	vst v63  }
0xdd: {  	_ =	swait.ge [sflag:s18], $0x1000  }
0xde: {  	[sflag:s18] =	ssyncset.done $0x0  }
0xdf: {  	s20 =	simm.s32 $0x0;
	[sflag:s18] =	ssyncadd.s32 $0xFFFFF000  }
0xe0: {  	[tilespmem:s20], [sflag:$0x1] =	stream.strided.gather [hbm4b:s6+s10], $0x18700, s11, s10, $0x38;
	[tilespmem:$0x1FB00] =	vst v63  }
0xe1: {  	_ = 	snop  }
0xe2: {  	[tilespmem:s12], [sflag:$0x2] =	stream.linear.gather [spmem:s2], $0x2800, $0x38;
	[tilespmem:$0x1FB00] =	vst v63  }
0xe3: {  	_ =	swait.ge [sflag:s13], $0x18700  }
0xe4: {  	[sflag:s13] =	ssyncset.done $0x0  }
0xe5: {  	s21 =	simm.s32 $0x0;
	[sflag:s13] =	ssyncadd.s32 $0xFFFE7900  }
.LBB2_8:
0xe6: {  	s22 =	sshllo.u32 s21, $0x1  }
0xe7: {  	s23 =	smul.u32 $0xA000, s22  }
0xe8: {  	_ =	swait.ge [sflag:s14], $0x2800  }
0xe9: {  	[sflag:s14] =	ssyncset.done $0x0;
	s23 =	sshra.s32 s23, $0x2  }
0xea: {  	[sflag:s14] =	ssyncadd.s32 $0xFFFFD800;
	s23 =	sadd.s32 s23, s2  }
0xeb: {  	[tilespmem:s15], [sflag:$0x3] =	stream.linear.gather [spmem:s23], $0x2800, $0x38;
	[tilespmem:$0x1FB00] =	vst v63  }
0xec: {  	s26 =	simm.s32 $0x18700;
	s24 =	sand.u32 $0x180, s20;
	s23 =	sand.u32 $0x70, s20  }
0xed: {  	v8 =	vld [tilespmem:s26+$0x0];
	s29 =	sor.u32 s23, s24  }
0xee: {  	v1 =	vld [tilespmem:s29+$0x1AB00]  }
0xef: {  	v0 =	vld [tilespmem:s29+$0x1AD00]  }
0xf0: {  	v3 =	vld [tilespmem:s29+$0x1A700]  }
0xf1: {  	v2 =	vld [tilespmem:s29+$0x1A900]  }
0xf2: {  	v5 =	vld [tilespmem:s29+$0x1A300]  }
0xf3: {  	v4 =	vld [tilespmem:s29+$0x1A500]  }
0xf4: {  	v7 =	vld [tilespmem:s29+$0x19F00]  }
0xf5: {  	v6 =	vld [tilespmem:s29+$0x1A100]  }
0xf6: {  	v10 =	vld [tilespmem:s29+$0x19B00]  }
0xf7: {  	v9 =	vld [tilespmem:s29+$0x19D00]  }
0xf8: {  	s25 =	sshll.u32 s21, $0xA;
	v11 =	vld [tilespmem:s29+$0x19700]  }
0xf9: {  	s25 =	sand.u32 $0x3FFFFC00, s25;
	v12 =	vld [tilespmem:s29+$0x18900]  }
0xfa: {  	s28 =	simm.s32 $0x10;
	s25 =	sadd.s32 $0x1D700, s25;
	v13 =	vld [tilespmem:s29+$0x18B00]  }
.LBB2_9:
0xfb: {  	p1 =	sne.s32 s28, $0x1F0;
	v14 =	vld [tilespmem:s29+$0x18D00]  }
0xfc: {  	v15 =	vld [tilespmem:s29+$0x19900]  }
0xfd: {  	v16 =	vld [tilespmem:s29+$0x18F00]  }
0xfe: {  	v17 =	vld [tilespmem:s29+$0x19100]  }
0xff: {  	v18 =	vld [tilespmem:s29+$0x19300]  }
0x100: {  	v19 =	vld [tilespmem:s29+$0x19500]  }
0x101: {  	v12 =	vld.idx.msk [tilespmem:v12+s3+$0x0], $0xffff  }
0x102: {  	v13 =	vld.idx.msk [tilespmem:v13+s3+$0x0], $0xffff  }
0x103: {  	v14 =	vld.idx.msk [tilespmem:v14+s3+$0x0], $0xffff  }
0x104: {  	v8 =	vld.idx.msk [tilespmem:v8+s3+$0x0], $0xffff  }
0x105: {  	v16 =	vld.idx.msk [tilespmem:v16+s3+$0x0], $0xffff  }
0x106: {  	v17 =	vld.idx.msk [tilespmem:v17+s3+$0x0], $0xffff  }
0x107: {  	v18 =	vld.idx.msk [tilespmem:v18+s3+$0x0], $0xffff  }
0x108: {  	v19 =	vld.idx.msk [tilespmem:v19+s3+$0x0], $0xffff  }
0x109: {  	v11 =	vld.idx.msk [tilespmem:v11+s3+$0x0], $0xffff  }
0x10a: {  	v12 =	vadd.f32 v14, v12;
	v8 =	vadd.f32 v13, v8;
	v13 =	vld.idx.msk [tilespmem:v15+s3+$0x0], $0xffff  }
0x10b: {  	v10 =	vld.idx.msk [tilespmem:v10+s3+$0x0], $0xffff  }
0x10c: {  	v8 =	vadd.f32 v16, v8;
	v12 =	vadd.f32 v17, v12;
	v9 =	vld.idx.msk [tilespmem:v9+s3+$0x0], $0xffff  }
0x10d: {  	v7 =	vld.idx.msk [tilespmem:v7+s3+$0x0], $0xffff  }
0x10e: {  	v8 =	vadd.f32 v18, v8;
	v12 =	vadd.f32 v19, v12;
	v6 =	vld.idx.msk [tilespmem:v6+s3+$0x0], $0xffff  }
0x10f: {  	v5 =	vld.idx.msk [tilespmem:v5+s3+$0x0], $0xffff  }
0x110: {  	v8 =	vadd.f32 v11, v8;
	v11 =	vadd.f32 v13, v12;
	v4 =	vld.idx.msk [tilespmem:v4+s3+$0x0], $0xffff  }
0x111: {  	v12 =	vld.idx.msk [tilespmem:v3+s3+$0x0], $0xffff  }
0x112: {  	v3 =	vadd.f32 v10, v8;
	v8 =	vadd.f32 v9, v11;
	v2 =	vld.idx.msk [tilespmem:v2+s3+$0x0], $0xffff  }
0x113: {  	v9 =	vld.idx.msk [tilespmem:v1+s3+$0x0], $0xffff  }
0x114: {  	s30 =	sand.u32 $0x180, s28;
	s31 =	sand.u32 $0x70, s28;
	s26 =	sadd.s32 $0x10, s26;
	v3 =	vadd.f32 v7, v3;
	v6 =	vadd.f32 v6, v8;
	v7 =	vld.idx.msk [tilespmem:v0+s3+$0x0], $0xffff  }
0x115: {  	s29 =	sor.u32 s31, s30;
	v8 =	vld [tilespmem:s26+$0x0]  }
0x116: {  	v5 =	vadd.f32 v5, v3;
	v4 =	vadd.f32 v4, v6;
	v1 =	vld [tilespmem:s29+$0x1AB00]  }
0x117: {  	v0 =	vld [tilespmem:s29+$0x1AD00]  }
0x118: {  	v6 =	vadd.f32 v12, v5;
	v4 =	vadd.f32 v2, v4;
	v3 =	vld [tilespmem:s29+$0x1A700]  }
0x119: {  	v2 =	vld [tilespmem:s29+$0x1A900]  }
0x11a: {  	v6 =	vadd.f32 v9, v6;
	v9 =	vadd.f32 v7, v4;
	v5 =	vld [tilespmem:s29+$0x1A300]  }
0x11b: {  	v4 =	vld [tilespmem:s29+$0x1A500]  }
0x11c: {  	v9 =	vadd.f32 v9, v6;
	v7 =	vld [tilespmem:s29+$0x19F00]  }
0x11d: {  	v6 =	vld [tilespmem:s29+$0x1A100]  }
.Ltmp3:
0x11e: {  	s0 =	sadd.s32 s24, s25;
	s24 =	smov.u32 s30;
	v12 =	vmul.f32 $5.000000070e-02, v9;
	v10 =	vld [tilespmem:s29+$0x19B00];
	(pc) =	sbr.rel @p1 .LBB2_9-.Ltmp3, $4  }
0x11f: {  	s0 =	sadd.s32 s23, s0;
	s23 =	smov.u32 s31;
	v9 =	vld [tilespmem:s29+$0x19D00]  }
0x120: {  	v11 =	vld [tilespmem:s29+$0x19700];
	[tilespmem:s0+$0x0] =	vst v12  }
0x121: {  	v12 =	vld [tilespmem:s29+$0x18900]  }
0x122: {  	s28 =	sadd.s32 $0x10, s28;
	v13 =	vld [tilespmem:s29+$0x18B00]  }
0x123: {  	v14 =	vld [tilespmem:s29+$0x18D00]  }
0x124: {  	v15 =	vld [tilespmem:s29+$0x19900]  }
0x125: {  	v16 =	vld [tilespmem:s29+$0x18F00]  }
0x126: {  	v17 =	vld [tilespmem:s29+$0x19100]  }
0x127: {  	v18 =	vld [tilespmem:s29+$0x19300]  }
0x128: {  	v19 =	vld [tilespmem:s29+$0x19500]  }
0x129: {  	v8 =	vld.idx.msk [tilespmem:v8+s3+$0x0], $0xffff  }
0x12a: {  	v12 =	vld.idx.msk [tilespmem:v12+s3+$0x0], $0xffff  }
0x12b: {  	v13 =	vld.idx.msk [tilespmem:v13+s3+$0x0], $0xffff  }
0x12c: {  	v14 =	vld.idx.msk [tilespmem:v14+s3+$0x0], $0xffff  }
0x12d: {  	v16 =	vld.idx.msk [tilespmem:v16+s3+$0x0], $0xffff  }
0x12e: {  	v17 =	vld.idx.msk [tilespmem:v17+s3+$0x0], $0xffff  }
0x12f: {  	v18 =	vld.idx.msk [tilespmem:v18+s3+$0x0], $0xffff  }
0x130: {  	v19 =	vld.idx.msk [tilespmem:v19+s3+$0x0], $0xffff  }
0x131: {  	v11 =	vld.idx.msk [tilespmem:v11+s3+$0x0], $0xffff;
	v8 =	vadd.f32 v13, v8;
	v12 =	vadd.f32 v14, v12  }
0x132: {  	v13 =	vld.idx.msk [tilespmem:v15+s3+$0x0], $0xffff  }
0x133: {  	v10 =	vld.idx.msk [tilespmem:v10+s3+$0x0], $0xffff;
	v8 =	vadd.f32 v16, v8;
	v12 =	vadd.f32 v17, v12  }
0x134: {  	v9 =	vld.idx.msk [tilespmem:v9+s3+$0x0], $0xffff  }
0x135: {  	v7 =	vld.idx.msk [tilespmem:v7+s3+$0x0], $0xffff;
	v8 =	vadd.f32 v18, v8;
	v12 =	vadd.f32 v19, v12  }
0x136: {  	v6 =	vld.idx.msk [tilespmem:v6+s3+$0x0], $0xffff  }
0x137: {  	v5 =	vld.idx.msk [tilespmem:v5+s3+$0x0], $0xffff;
	v8 =	vadd.f32 v11, v8;
	v11 =	vadd.f32 v13, v12  }
0x138: {  	v4 =	vld.idx.msk [tilespmem:v4+s3+$0x0], $0xffff  }
0x139: {  	v3 =	vld.idx.msk [tilespmem:v3+s3+$0x0], $0xffff;
	v8 =	vadd.f32 v10, v8;
	v9 =	vadd.f32 v9, v11  }
0x13a: {  	v2 =	vld.idx.msk [tilespmem:v2+s3+$0x0], $0xffff  }
0x13b: {  	v1 =	vld.idx.msk [tilespmem:v1+s3+$0x0], $0xffff;
	v7 =	vadd.f32 v7, v8;
	v6 =	vadd.f32 v6, v9  }
0x13c: {  	v0 =	vld.idx.msk [tilespmem:v0+s3+$0x0], $0xffff  }
0x13d: {  	v5 =	vadd.f32 v5, v7;
	v4 =	vadd.f32 v4, v6;
	_ =	sdelay $0x1  }
0x13e: {  	v3 =	vadd.f32 v3, v5;
	v2 =	vadd.f32 v2, v4;
	_ =	sdelay $0x1  }
0x13f: {  	v1 =	vadd.f32 v1, v3;
	v0 =	vadd.f32 v0, v2;
	_ =	sdelay $0x1  }
0x140: {  	v0 =	vadd.f32 v0, v1;
	_ =	sdelay $0x1  }
0x141: {  	s0 =	sadd.s32 s24, s25;
	p1 =	seq.s32 s21, $0x3;
	v0 =	vmul.f32 $5.000000070e-02, v0  }
0x142: {  	s0 =	sadd.s32 s23, s0;
	s23 =	smul.u32 @!p1 $0x14000, s21  }
0x143: {  	[tilespmem:s0+$0x0] =	vst v0  }
0x144: {  	s0 =	sshra.s32 @!p1 s23, $0x2;
	_ =	swait.ge [sflag:s16], $0x2800  }
0x145: {  	s30 =	simm.s32 $0x0;
	s0 =	sadd.s32 @!p1 s0, s2;
	[sflag:s16] =	ssyncset.done $0x0  }
0x146: {  	s23 =	simm.s32 @!p1 $0x18700;
	s0 =	sadd.s32 @!p1 $0x5000, s0;
	[sflag:s16] =	ssyncadd.s32 $0xFFFFD800  }
0x147: {  	[tilespmem:s23], [sflag:$0x2] =	stream.linear.gather @!p1 [spmem:s0], $0x2800, $0x38;
	[tilespmem:$0x1FB00] =	vst v63  }
0x148: {  	s25 =	simm.s32 $0x1AF00;
	s24 =	sand.u32 $0x180, s30;
	s23 =	sand.u32 $0x70, s30  }
0x149: {  	v8 =	vld [tilespmem:s25+$0x0];
	s28 =	sor.u32 s23, s24  }
0x14a: {  	v1 =	vld [tilespmem:s28+$0x1D300]  }
0x14b: {  	v0 =	vld [tilespmem:s28+$0x1D500]  }
0x14c: {  	v3 =	vld [tilespmem:s28+$0x1CF00]  }
0x14d: {  	v2 =	vld [tilespmem:s28+$0x1D100]  }
0x14e: {  	v5 =	vld [tilespmem:s28+$0x1CB00]  }
0x14f: {  	v4 =	vld [tilespmem:s28+$0x1CD00]  }
0x150: {  	v7 =	vld [tilespmem:s28+$0x1C700]  }
0x151: {  	v6 =	vld [tilespmem:s28+$0x1C900]  }
0x152: {  	v10 =	vld [tilespmem:s28+$0x1C300]  }
0x153: {  	v9 =	vld [tilespmem:s28+$0x1C500]  }
0x154: {  	s31 =	sshll.u32 s22, $0x9;
	v11 =	vld [tilespmem:s28+$0x1BF00]  }
0x155: {  	s0 =	sand.u32 $0x3FFFFE00, s31;
	v12 =	vld [tilespmem:s28+$0x1B100]  }
0x156: {  	s26 =	simm.s32 $0x10;
	s22 =	sadd.s32 $0x1D700, s0;
	v13 =	vld [tilespmem:s28+$0x1B300]  }
.LBB2_11:
0x157: {  	p1 =	sne.s32 s26, $0x1F0;
	v14 =	vld [tilespmem:s28+$0x1B500]  }
0x158: {  	v15 =	vld [tilespmem:s28+$0x1C100]  }
0x159: {  	v16 =	vld [tilespmem:s28+$0x1B700]  }
0x15a: {  	v17 =	vld [tilespmem:s28+$0x1B900]  }
0x15b: {  	v18 =	vld [tilespmem:s28+$0x1BB00]  }
0x15c: {  	v19 =	vld [tilespmem:s28+$0x1BD00]  }
0x15d: {  	v12 =	vld.idx.msk [tilespmem:v12+s3+$0x0], $0xffff  }
0x15e: {  	v13 =	vld.idx.msk [tilespmem:v13+s3+$0x0], $0xffff  }
0x15f: {  	v14 =	vld.idx.msk [tilespmem:v14+s3+$0x0], $0xffff  }
0x160: {  	v8 =	vld.idx.msk [tilespmem:v8+s3+$0x0], $0xffff  }
0x161: {  	v16 =	vld.idx.msk [tilespmem:v16+s3+$0x0], $0xffff  }
0x162: {  	v17 =	vld.idx.msk [tilespmem:v17+s3+$0x0], $0xffff  }
0x163: {  	v18 =	vld.idx.msk [tilespmem:v18+s3+$0x0], $0xffff  }
0x164: {  	v19 =	vld.idx.msk [tilespmem:v19+s3+$0x0], $0xffff  }
0x165: {  	v11 =	vld.idx.msk [tilespmem:v11+s3+$0x0], $0xffff  }
0x166: {  	v12 =	vadd.f32 v14, v12;
	v8 =	vadd.f32 v13, v8;
	v13 =	vld.idx.msk [tilespmem:v15+s3+$0x0], $0xffff  }
0x167: {  	v10 =	vld.idx.msk [tilespmem:v10+s3+$0x0], $0xffff  }
0x168: {  	v8 =	vadd.f32 v16, v8;
	v12 =	vadd.f32 v17, v12;
	v9 =	vld.idx.msk [tilespmem:v9+s3+$0x0], $0xffff  }
0x169: {  	v7 =	vld.idx.msk [tilespmem:v7+s3+$0x0], $0xffff  }
0x16a: {  	v8 =	vadd.f32 v18, v8;
	v12 =	vadd.f32 v19, v12;
	v6 =	vld.idx.msk [tilespmem:v6+s3+$0x0], $0xffff  }
0x16b: {  	v5 =	vld.idx.msk [tilespmem:v5+s3+$0x0], $0xffff  }
0x16c: {  	v8 =	vadd.f32 v11, v8;
	v11 =	vadd.f32 v13, v12;
	v4 =	vld.idx.msk [tilespmem:v4+s3+$0x0], $0xffff  }
0x16d: {  	v12 =	vld.idx.msk [tilespmem:v3+s3+$0x0], $0xffff  }
0x16e: {  	v3 =	vadd.f32 v10, v8;
	v8 =	vadd.f32 v9, v11;
	v2 =	vld.idx.msk [tilespmem:v2+s3+$0x0], $0xffff  }
0x16f: {  	v9 =	vld.idx.msk [tilespmem:v1+s3+$0x0], $0xffff  }
0x170: {  	s0 =	sand.u32 $0x180, s26;
	s29 =	sand.u32 $0x70, s26;
	s25 =	sadd.s32 $0x10, s25;
	v3 =	vadd.f32 v7, v3;
	v6 =	vadd.f32 v6, v8;
	v7 =	vld.idx.msk [tilespmem:v0+s3+$0x0], $0xffff  }
0x171: {  	s28 =	sor.u32 s29, s0;
	v8 =	vld [tilespmem:s25+$0x0]  }
0x172: {  	v5 =	vadd.f32 v5, v3;
	v4 =	vadd.f32 v4, v6;
	v1 =	vld [tilespmem:s28+$0x1D300]  }
0x173: {  	v0 =	vld [tilespmem:s28+$0x1D500]  }
0x174: {  	v6 =	vadd.f32 v12, v5;
	v4 =	vadd.f32 v2, v4;
	v3 =	vld [tilespmem:s28+$0x1CF00]  }
0x175: {  	v2 =	vld [tilespmem:s28+$0x1D100]  }
0x176: {  	v6 =	vadd.f32 v9, v6;
	v9 =	vadd.f32 v7, v4;
	v5 =	vld [tilespmem:s28+$0x1CB00]  }
0x177: {  	v4 =	vld [tilespmem:s28+$0x1CD00]  }
0x178: {  	v9 =	vadd.f32 v9, v6;
	v7 =	vld [tilespmem:s28+$0x1C700]  }
0x179: {  	v6 =	vld [tilespmem:s28+$0x1C900]  }
.Ltmp4:
0x17a: {  	s30 =	sadd.s32 s24, s22;
	s24 =	smov.u32 s0;
	v12 =	vmul.f32 $5.000000070e-02, v9;
	v10 =	vld [tilespmem:s28+$0x1C300];
	(pc) =	sbr.rel @p1 .LBB2_11-.Ltmp4, $4  }
0x17b: {  	s0 =	sadd.s32 s23, s30;
	s23 =	smov.u32 s29;
	v9 =	vld [tilespmem:s28+$0x1C500]  }
0x17c: {  	v11 =	vld [tilespmem:s28+$0x1BF00];
	[tilespmem:s0+$0x0] =	vst v12  }
0x17d: {  	v12 =	vld [tilespmem:s28+$0x1B100]  }
0x17e: {  	s26 =	sadd.s32 $0x10, s26;
	v13 =	vld [tilespmem:s28+$0x1B300]  }
0x17f: {  	v14 =	vld [tilespmem:s28+$0x1B500]  }
0x180: {  	v15 =	vld [tilespmem:s28+$0x1C100]  }
0x181: {  	v16 =	vld [tilespmem:s28+$0x1B700]  }
0x182: {  	v17 =	vld [tilespmem:s28+$0x1B900]  }
0x183: {  	v18 =	vld [tilespmem:s28+$0x1BB00]  }
0x184: {  	v19 =	vld [tilespmem:s28+$0x1BD00]  }
0x185: {  	v8 =	vld.idx.msk [tilespmem:v8+s3+$0x0], $0xffff  }
0x186: {  	v12 =	vld.idx.msk [tilespmem:v12+s3+$0x0], $0xffff  }
0x187: {  	v13 =	vld.idx.msk [tilespmem:v13+s3+$0x0], $0xffff  }
0x188: {  	v14 =	vld.idx.msk [tilespmem:v14+s3+$0x0], $0xffff  }
0x189: {  	v16 =	vld.idx.msk [tilespmem:v16+s3+$0x0], $0xffff  }
0x18a: {  	v17 =	vld.idx.msk [tilespmem:v17+s3+$0x0], $0xffff  }
0x18b: {  	v18 =	vld.idx.msk [tilespmem:v18+s3+$0x0], $0xffff  }
0x18c: {  	v19 =	vld.idx.msk [tilespmem:v19+s3+$0x0], $0xffff  }
0x18d: {  	v11 =	vld.idx.msk [tilespmem:v11+s3+$0x0], $0xffff;
	v8 =	vadd.f32 v13, v8;
	v12 =	vadd.f32 v14, v12  }
0x18e: {  	v62 =	vld.idx.msk [tilespmem:v15+s3+$0x0], $0xffff  }
0x18f: {  	v10 =	vld.idx.msk [tilespmem:v10+s3+$0x0], $0xffff;
	v8 =	vadd.f32 v16, v8;
	v12 =	vadd.f32 v17, v12  }
0x190: {  	v9 =	vld.idx.msk [tilespmem:v9+s3+$0x0], $0xffff  }
0x191: {  	v7 =	vld.idx.msk [tilespmem:v7+s3+$0x0], $0xffff;
	v8 =	vadd.f32 v18, v8;
	v12 =	vadd.f32 v19, v12  }
0x192: {  	v6 =	vld.idx.msk [tilespmem:v6+s3+$0x0], $0xffff  }
0x193: {  	v5 =	vld.idx.msk [tilespmem:v5+s3+$0x0], $0xffff;
	v8 =	vadd.f32 v11, v8;
	v63 =	vadd.f32 v62, v12  }
0x194: {  	v4 =	vld.idx.msk [tilespmem:v4+s3+$0x0], $0xffff  }
0x195: {  	v3 =	vld.idx.msk [tilespmem:v3+s3+$0x0], $0xffff;
	v8 =	vadd.f32 v10, v8;
	v9 =	vadd.f32 v9, v63  }
0x196: {  	v2 =	vld.idx.msk [tilespmem:v2+s3+$0x0], $0xffff  }
0x197: {  	v1 =	vld.idx.msk [tilespmem:v1+s3+$0x0], $0xffff;
	v7 =	vadd.f32 v7, v8;
	v6 =	vadd.f32 v6, v9  }
0x198: {  	v0 =	vld.idx.msk [tilespmem:v0+s3+$0x0], $0xffff  }
0x199: {  	v5 =	vadd.f32 v5, v7;
	v4 =	vadd.f32 v4, v6;
	_ =	sdelay $0x1  }
0x19a: {  	v3 =	vadd.f32 v3, v5;
	v2 =	vadd.f32 v2, v4;
	_ =	sdelay $0x1  }
0x19b: {  	s21 =	sadd.s32 $0x1, s21;
	v1 =	vadd.f32 v1, v3;
	v0 =	vadd.f32 v0, v2  }
0x19c: {  	p1 =	sne.s32 s21, $0x4  }
.Ltmp5:
0x19d: {  	v0 =	vadd.f32 v0, v1;
	(pc) =	sbr.rel @p1 .LBB2_8-.Ltmp5, $4  }
0x19e: {  	_ = 	snop  }
0x19f: {  	s0 =	sadd.s32 s24, s22;
	v0 =	vmul.f32 $5.000000070e-02, v0  }
0x1a0: {  	s0 =	sadd.s32 s23, s0  }
0x1a1: {  	[tilespmem:s0+$0x0] =	vst v0  }
0x1a2: {  	s19 =	sadd.s32 $0x1, s19  }
0x1a3: {  	p1 =	sne.s32 s19, s8  }
.Ltmp6:
0x1a4: {  	_ = 	snop;
	(pc) =	sbr.rel @p1 .LBB2_1-.Ltmp6, $4  }
0x1a5: {  	[hbm4b:s7+s10] =	stream.strided.scatter [tilespmem:s17], [sflag:$0x4], $0x1000, s11, s10, $0x38;
	[tilespmem:$0x1FB00] =	vst v63  }
0x1a6: {  	_ =	swait.ge [sflag:s18], $0x1000  }
0x1a7: {  	[sflag:s18] =	ssyncset.done $0x0  }
0x1a8: {  	[sflag:s18] =	ssyncadd.s32 $0xFFFFF000  }
0x1a9: {  	_ =	sfence.sel $0x180000  }
0x1aa: {  	[bflag:$0x0] =	sbarrier.arrive $0xFFFF  }
0x1ab: {  	_ =	strace $0x90000047  }
0x1ac: {  	[bflag:$0x2] =	sbarrier.arrive $0xFFFF  }
0x1ad: {  	s0 =	rddreg [dreg:$0x4]  }
0x1ae: {  	s0 =	sadd.s32 @!p0 $0x100000, s0  }
0x1af: {  	[sflag:s0] =	ssyncadd.tile.s32 @!p0 $0x1;
	_ =	shalt  }
.Lfunc_end2:
_tile_overlayer_lowered:
.L_overlay_start_2:
0x1b0: {  	(tag) =	ssettag $0x2  }
0x1b1: {  	s0 =	rddreg [dreg:$0x0];
	s2 =	stileid.u32  }
0x1b2: {  	s1 =	rddreg [dreg:$0x1];
	p0 =	sne.s32 s2, $0x0  }
0x1b3: {  	s3 =	rddreg [dreg:$0x2];
	[bflag:$0x3] =	sbarrier.arrive $0xFFFF;
	s2 =	simm.s32 @!p0 $0x1C04  }
0x1b4: {  	[timem:s3], [sflag:s2] =	dma.local @!p0 [hbm:s0], s1  }
0x1b5: {  	s0 =	simm.s32 @!p0 $0x4  }
0x1b6: {  	_ =	swait.ge @!p0 [sflag:s0], s1  }
0x1b7: {  	s1 =	ssub.s32 @!p0 $0x0, s1;
	[sflag:s0] =	ssyncset.done @!p0 $0x0  }
0x1b8: {  	[sflag:s0] =	ssyncadd.s32 @!p0 s1  }
0x1b9: {  	[bflag:$0x3] =	sbarrier.arrive $0xFFFF  }
0x1ba: {  	_ =	shalt  }

</sc_bundles>
